<compile_context>
chip_gen: v7x
topology: tpu7x:2x2x1
jax: 0.10.2.dev20260603
libtpu: 0.0.44.dev20260713+nightly
codegen_flags: <defaults>
</compile_context>

<pallas_src>
import functools

import jax
import jax.numpy as jnp
from jax import lax
from jax.experimental import pallas as pl
from jax.experimental.pallas import tpu as pltpu
from jax.experimental.pallas import tpu_sc as plsc

_L = 16


def _make_permute(B, N, rows_per_chunk, unroll):
    info = plsc.get_sparse_core_info()
    nc, ns = info.num_cores, info.num_subcores
    nw = nc * ns
    assert B % (nw * 4 * rows_per_chunk) == 0
    rows_per_w = B // nw
    chunks = rows_per_w // rows_per_chunk
    quads = chunks // 4
    groups = N // _L

    mesh = plsc.VectorSubcoreMesh(core_axis_name="c", subcore_axis_name="s")

    @functools.partial(
        pl.kernel,
        mesh=mesh,
        out_type=jax.ShapeDtypeStruct((B, N), jnp.float32),
        compiler_params=pltpu.CompilerParams(needs_layout_passes=False),
        scratch_types=[
            pltpu.VMEM((N,), jnp.int32),
            pltpu.VMEM((rows_per_chunk, N), jnp.float32),
            pltpu.VMEM((rows_per_chunk, N), jnp.float32),
            pltpu.VMEM((rows_per_chunk, N), jnp.float32),
            pltpu.VMEM((rows_per_chunk, N), jnp.float32),
            pltpu.VMEM((rows_per_chunk, N), jnp.float32),
            pltpu.VMEM((rows_per_chunk, N), jnp.float32),
            pltpu.SemaphoreType.DMA,
            pltpu.SemaphoreType.DMA,
            pltpu.SemaphoreType.DMA,
            pltpu.SemaphoreType.DMA,
            pltpu.SemaphoreType.DMA,
            pltpu.SemaphoreType.DMA,
        ],
    )
    def permute(
        y_hbm, idx_hbm, out_hbm,
        idx_v, ina, inb, inc, ind, out0, out1,
        sa, sb, sc, sd, so0, so1,
    ):
        wid = lax.axis_index("s") * nc + lax.axis_index("c")
        base = wid * rows_per_w
        pltpu.sync_copy(idx_hbm, idx_v)

        def in_src(c):
            return y_hbm.at[pl.ds(base + c * rows_per_chunk, rows_per_chunk)]

        def out_dst(c):
            return out_hbm.at[pl.ds(base + c * rows_per_chunk, rows_per_chunk)]

        def compute(in_b, out_b):
            @plsc.parallel_loop(0, groups, unroll=unroll)
            def _(j):
                col = j * _L
                idxv = idx_v[pl.ds(col, _L)]
                for r in range(rows_per_chunk):
                    rvec = jnp.full((_L,), r, jnp.int32)
                    out_b[r, pl.ds(col, _L)] = plsc.load_gather(
                        in_b, [rvec, idxv]
                    )

        pltpu.async_copy(in_src(0), ina, sa)
        pltpu.async_copy(in_src(1), inb, sb)
        pltpu.async_copy(in_src(2), inc, sc)

        in_bufs = (ina, inb, inc, ind)
        in_sems = (sa, sb, sc, sd)
        out_bufs = (out0, out1)
        out_sems = (so0, so1)

        def do_quad(q, carry):
            c0 = q * 4
            for k in range(4):
                c = c0 + k
                pre = (k + 3) % 4

                @pl.when(c + 3 < chunks)
                def _():
                    pltpu.async_copy(in_src(c + 3), in_bufs[pre], in_sems[pre])

                pltpu.make_async_copy(
                    in_src(c), in_bufs[k], in_sems[k]
                ).wait()

                ob = out_bufs[k % 2]
                os = out_sems[k % 2]

                @pl.when(c > 1)
                def _():
                    pltpu.make_async_copy(ob, out_dst(c - 2), os).wait()

                compute(in_bufs[k], ob)
                pltpu.async_copy(ob, out_dst(c), os)
            return carry

        lax.fori_loop(0, quads, do_quad, 0, unroll=False)

        pltpu.make_async_copy(out0, out_dst(chunks - 2), so0).wait()
        pltpu.make_async_copy(out1, out_dst(chunks - 1), so1).wait()

    return permute


def kernel(y, indices, indices_inverse):
    B, N = y.shape
    fn = _make_permute(B, N, rows_per_chunk=4, unroll=8)
    return fn(y, indices.astype(jnp.int32))

# --- scband reference (transcript-rebuilt; emitter-appended) ---
"""Pipeline reference for scband-permute-54288386622101 (READ-ONLY COPY).

The authoritative reference and input builder live on the scoring server;
editing this copy changes nothing except your own understanding.
"""

import jax, jax.numpy as jnp
import numpy as np

B = 16384
NEURONS = 4096

def setup_inputs(seed: int = 0) -> dict:
    key = jax.random.key(seed)
    k1, k2 = jax.random.split(key)
    y = jax.random.normal(k1, (B, NEURONS), dtype=jnp.float32)
    # buffer created in __init__: np.random.permutation(neurons)
    indices = jax.random.permutation(k2, NEURONS).astype(jnp.int64)
    indices_inverse = jnp.argsort(indices)
    return {"y": y, "indices": indices, "indices_inverse": indices_inverse}

def reference(y, indices, indices_inverse):
    # forward with reverse=False: y = y[:, self.indices]
    out = jnp.take(y, indices, axis=1)
    # module returns (y, x, logdet); x and logdet are passed through as None,
    # so the only tensor output is the permuted y
    return out

if __name__ == "__main__":
    import jax
    _d = setup_inputs()
    print(jax.jit(kernel)(*tuple(_d.values())))

</pallas_src>

<mosaic_0001>
#map = affine_map<(d0, d1) -> (0, 0)>
#map1 = affine_map<(d0, d1) -> (0)>
module attributes {stable_mosaic.version = 14 : i64} {
  func.func @permute(%arg0: i32, %arg1: i32, %arg2: memref<16384x4096xf32, #tpu.memory_space<hbm>>, %arg3: memref<4096xi32, #tpu.memory_space<hbm>>, %arg4: memref<16384x4096xf32, #tpu.memory_space<hbm>>, %arg5: memref<4096xi32, #tpu.memory_space<vmem>>, %arg6: memref<4x4096xf32, #tpu.memory_space<vmem>>, %arg7: memref<4x4096xf32, #tpu.memory_space<vmem>>, %arg8: memref<4x4096xf32, #tpu.memory_space<vmem>>, %arg9: memref<4x4096xf32, #tpu.memory_space<vmem>>, %arg10: memref<4x4096xf32, #tpu.memory_space<vmem>>, %arg11: memref<4x4096xf32, #tpu.memory_space<vmem>>, %arg12: memref<!tpu.dma_semaphore, #tpu.memory_space<semaphore_mem>>, %arg13: memref<!tpu.dma_semaphore, #tpu.memory_space<semaphore_mem>>, %arg14: memref<!tpu.dma_semaphore, #tpu.memory_space<semaphore_mem>>, %arg15: memref<!tpu.dma_semaphore, #tpu.memory_space<semaphore_mem>>, %arg16: memref<!tpu.dma_semaphore, #tpu.memory_space<semaphore_mem>>, %arg17: memref<!tpu.dma_semaphore, #tpu.memory_space<semaphore_mem>>) attributes {dimension_semantics = [#tpu.dimension_semantics<core_parallel>, #tpu.dimension_semantics<subcore_parallel>], iteration_bounds = array<i64: 2, 16>, scalar_prefetch = 0 : i64, scratch_operands = 13 : i64, tpu.core_type = #tpu.core_type<sc_vector_subcore>, window_params = [{transform_indices = #map}, {transform_indices = #map1}, {transform_indices = #map}]} {
    %mul3A = arith.constant 2 : i32
    %mul3A_0 = arith.muli %arg1, %mul3A : i32
    %add3A = arith.addi %mul3A_0, %arg0 : i32
    %mul3A_1 = arith.constant 512 : i32
    %mul3A_2 = arith.muli %add3A, %mul3A_1 : i32
    "tpu.region"() ({
      %run_scoped3A = tpu.sem_alloc : memref<!tpu.dma_semaphore, #tpu.memory_space<semaphore_mem>>
      tpu.enqueue_dma source(%arg3 : memref<4096xi32, #tpu.memory_space<hbm>>) target(%arg5 : memref<4096xi32, #tpu.memory_space<vmem>>) target_semaphore(%run_scoped3A : memref<!tpu.dma_semaphore, #tpu.memory_space<semaphore_mem>>)
      tpu.wait_dma2 semaphore(%run_scoped3A : memref<!tpu.dma_semaphore, #tpu.memory_space<semaphore_mem>>) src(%arg3 : memref<4096xi32, #tpu.memory_space<hbm>>) dst(%arg5 : memref<4096xi32, #tpu.memory_space<vmem>>)
      tpu.yield
    }) : () -> ()
    %add3A_3 = arith.constant 0 : i32
    %add3A_4 = arith.addi %mul3A_2, %add3A_3 : i32
    %dma_start3A = arith.constant 0 : i32
    %dma_start3A_5 = tpu.memref_slice %arg2[%add3A_4, %dma_start3A] : memref<16384x4096xf32, #tpu.memory_space<hbm>> -> memref<4x4096xf32, #tpu.memory_space<hbm>>
    %dma_start3A_6 = arith.constant 0 : i32
    %dma_start3A_7 = tpu.memref_slice %arg2[%add3A_4, %dma_start3A_6] : memref<16384x4096xf32, #tpu.memory_space<hbm>> -> memref<4x4096xf32, #tpu.memory_space<hbm>>
    tpu.enqueue_dma source(%dma_start3A_7 : memref<4x4096xf32, #tpu.memory_space<hbm>>) target(%arg6 : memref<4x4096xf32, #tpu.memory_space<vmem>>) target_semaphore(%arg12 : memref<!tpu.dma_semaphore, #tpu.memory_space<semaphore_mem>>)
    %add3A_8 = arith.constant 4 : i32
    %add3A_9 = arith.addi %mul3A_2, %add3A_8 : i32
    %dma_start3A_10 = arith.constant 0 : i32
    %dma_start3A_11 = tpu.memref_slice %arg2[%add3A_9, %dma_start3A_10] : memref<16384x4096xf32, #tpu.memory_space<hbm>> -> memref<4x4096xf32, #tpu.memory_space<hbm>>
    %dma_start3A_12 = arith.constant 0 : i32
    %dma_start3A_13 = tpu.memref_slice %arg2[%add3A_9, %dma_start3A_12] : memref<16384x4096xf32, #tpu.memory_space<hbm>> -> memref<4x4096xf32, #tpu.memory_space<hbm>>
    tpu.enqueue_dma source(%dma_start3A_13 : memref<4x4096xf32, #tpu.memory_space<hbm>>) target(%arg7 : memref<4x4096xf32, #tpu.memory_space<vmem>>) target_semaphore(%arg13 : memref<!tpu.dma_semaphore, #tpu.memory_space<semaphore_mem>>)
    %add3A_14 = arith.constant 8 : i32
    %add3A_15 = arith.addi %mul3A_2, %add3A_14 : i32
    %dma_start3A_16 = arith.constant 0 : i32
    %dma_start3A_17 = tpu.memref_slice %arg2[%add3A_15, %dma_start3A_16] : memref<16384x4096xf32, #tpu.memory_space<hbm>> -> memref<4x4096xf32, #tpu.memory_space<hbm>>
    %dma_start3A_18 = arith.constant 0 : i32
    %dma_start3A_19 = tpu.memref_slice %arg2[%add3A_15, %dma_start3A_18] : memref<16384x4096xf32, #tpu.memory_space<hbm>> -> memref<4x4096xf32, #tpu.memory_space<hbm>>
    tpu.enqueue_dma source(%dma_start3A_19 : memref<4x4096xf32, #tpu.memory_space<hbm>>) target(%arg8 : memref<4x4096xf32, #tpu.memory_space<vmem>>) target_semaphore(%arg14 : memref<!tpu.dma_semaphore, #tpu.memory_space<semaphore_mem>>)
    %scan3A = arith.constant 0 : i32
    %scan3A_20 = arith.constant 0 : i32
    %scan3A_21 = arith.constant 32 : i32
    %scan3A_22 = arith.addi %scan3A_20, %scan3A_21 : i32
    %scan3A_23 = arith.constant 1 : i32
    scf.for %scan3A_36 = %scan3A_20 to %scan3A_22 step %scan3A_23  : i32 {
      %mul3A_37 = arith.constant 4 : i32
      %mul3A_38 = arith.muli %scan3A_36, %mul3A_37 : i32
      %add3A_39 = arith.constant 0 : i32
      %add3A_40 = arith.addi %mul3A_38, %add3A_39 : i32
      %add3A_41 = arith.constant 3 : i32
      %add3A_42 = arith.addi %add3A_40, %add3A_41 : i32
      %lt3A = arith.constant 128 : i32
      %lt3A_43 = arith.cmpi slt, %add3A_42, %lt3A : i32
      %convert_element_type3A = arith.extui %lt3A_43 : i1 to i32
      %cond3A = arith.constant 0 : i32
      %cond3A_44 = arith.cmpi ne, %convert_element_type3A, %cond3A : i32
      scf.if %cond3A_44 {
        %add3A_158 = arith.constant 3 : i32
        %add3A_159 = arith.addi %add3A_40, %add3A_158 : i32
        %mul3A_160 = arith.constant 4 : i32
        %mul3A_161 = arith.muli %add3A_159, %mul3A_160 : i32
        %add3A_162 = arith.addi %mul3A_2, %mul3A_161 : i32
        %dma_start3A_163 = arith.constant 0 : i32
        %dma_start3A_164 = tpu.memref_slice %arg2[%add3A_162, %dma_start3A_163] : memref<16384x4096xf32, #tpu.memory_space<hbm>> -> memref<4x4096xf32, #tpu.memory_space<hbm>>
        %dma_start3A_165 = arith.constant 0 : i32
        %dma_start3A_166 = tpu.memref_slice %arg2[%add3A_162, %dma_start3A_165] : memref<16384x4096xf32, #tpu.memory_space<hbm>> -> memref<4x4096xf32, #tpu.memory_space<hbm>>
        tpu.enqueue_dma source(%dma_start3A_166 : memref<4x4096xf32, #tpu.memory_space<hbm>>) target(%arg9 : memref<4x4096xf32, #tpu.memory_space<vmem>>) target_semaphore(%arg15 : memref<!tpu.dma_semaphore, #tpu.memory_space<semaphore_mem>>)
      } else {
      }
      %mul3A_45 = arith.constant 4 : i32
      %mul3A_46 = arith.muli %add3A_40, %mul3A_45 : i32
      %add3A_47 = arith.addi %mul3A_2, %mul3A_46 : i32
      %dma_wait3A_48 = arith.constant 0 : i32
      %dma_wait3A_49 = tpu.memref_slice %arg2[%add3A_47, %dma_wait3A_48] : memref<16384x4096xf32, #tpu.memory_space<hbm>> -> memref<4x4096xf32, #tpu.memory_space<hbm>>
      %dma_wait3A_50 = arith.constant 0 : i32
      %dma_wait3A_51 = tpu.memref_slice %arg2[%add3A_47, %dma_wait3A_50] : memref<16384x4096xf32, #tpu.memory_space<hbm>> -> memref<4x4096xf32, #tpu.memory_space<hbm>>
      tpu.wait_dma2 semaphore(%arg12 : memref<!tpu.dma_semaphore, #tpu.memory_space<semaphore_mem>>) src(%dma_wait3A_51 : memref<4x4096xf32, #tpu.memory_space<hbm>>) dst(%arg6 : memref<4x4096xf32, #tpu.memory_space<vmem>>)
      %gt3A = arith.constant 1 : i32
      %gt3A_52 = arith.cmpi sgt, %add3A_40, %gt3A : i32
      %convert_element_type3A_53 = arith.extui %gt3A_52 : i1 to i32
      %cond3A_54 = arith.constant 0 : i32
      %cond3A_55 = arith.cmpi ne, %convert_element_type3A_53, %cond3A_54 : i32
      scf.if %cond3A_55 {
        %sub3A = arith.constant 2 : i32
        %sub3A_158 = arith.subi %add3A_40, %sub3A : i32
        %mul3A_159 = arith.constant 4 : i32
        %mul3A_160 = arith.muli %sub3A_158, %mul3A_159 : i32
        %add3A_161 = arith.addi %mul3A_2, %mul3A_160 : i32
        %dma_wait3A_162 = arith.constant 0 : i32
        %dma_wait3A_163 = tpu.memref_slice %arg4[%add3A_161, %dma_wait3A_162] : memref<16384x4096xf32, #tpu.memory_space<hbm>> -> memref<4x4096xf32, #tpu.memory_space<hbm>>
        %dma_wait3A_164 = arith.constant 0 : i32
        %dma_wait3A_165 = tpu.memref_slice %arg4[%add3A_161, %dma_wait3A_164] : memref<16384x4096xf32, #tpu.memory_space<hbm>> -> memref<4x4096xf32, #tpu.memory_space<hbm>>
        tpu.wait_dma2 semaphore(%arg16 : memref<!tpu.dma_semaphore, #tpu.memory_space<semaphore_mem>>) src(%arg10 : memref<4x4096xf32, #tpu.memory_space<vmem>>) dst(%dma_wait3A_165 : memref<4x4096xf32, #tpu.memory_space<hbm>>)
      } else {
      }
      %parallel_loop3A = arith.constant 0 : i32
      %parallel_loop3A_56 = arith.constant 256 : i32
      %parallel_loop3A_57 = arith.constant 1 : i32
      scf.for %parallel_loop3A_158 = %parallel_loop3A to %parallel_loop3A_56 step %parallel_loop3A_57  : i32 {
        %parallel_loop3A_159 = arith.constant 16 : i32
        %parallel_loop3A_160 = arith.muli %parallel_loop3A_158, %parallel_loop3A_159 : i32
        %parallel_loop3A_161 = arith.index_cast %parallel_loop3A_160 : i32 to index
        %parallel_loop3A_162 = tpu.vector_load %arg5[%parallel_loop3A_161] {strides = array<i32>} : memref<4096xi32, #tpu.memory_space<vmem>>, vector<16xi32>,
        %parallel_loop3A_163 = arith.constant 0 : i32
        %parallel_loop3A_164 = vector.broadcast %parallel_loop3A_163 : i32 to vector<16xi32>
        %parallel_loop3A_165 = tpu.vector_load_idx %arg6[%parallel_loop3A_164, %parallel_loop3A_162] : memref<4x4096xf32, #tpu.memory_space<vmem>>[vector<16xi32>, vector<16xi32>], vector<16xf32>,
        %parallel_loop3A_166 = arith.constant 0 : i32
        %parallel_loop3A_167 = arith.index_cast %parallel_loop3A_166 : i32 to index
        %parallel_loop3A_168 = arith.index_cast %parallel_loop3A_160 : i32 to index
        %parallel_loop3A_169 = tpu.vector_load %arg10[%parallel_loop3A_167, %parallel_loop3A_168] {strides = array<i32>} : memref<4x4096xf32, #tpu.memory_space<vmem>>, vector<16xf32>,
        tpu.vector_store %arg10[%parallel_loop3A_167, %parallel_loop3A_168], %parallel_loop3A_165 {strides = array<i32>} : memref<4x4096xf32, #tpu.memory_space<vmem>>, vector<16xf32>,
        %parallel_loop3A_170 = arith.constant 1 : i32
        %parallel_loop3A_171 = vector.broadcast %parallel_loop3A_170 : i32 to vector<16xi32>
        %parallel_loop3A_172 = tpu.vector_load_idx %arg6[%parallel_loop3A_171, %parallel_loop3A_162] : memref<4x4096xf32, #tpu.memory_space<vmem>>[vector<16xi32>, vector<16xi32>], vector<16xf32>,
        %parallel_loop3A_173 = arith.constant 1 : i32
        %parallel_loop3A_174 = arith.index_cast %parallel_loop3A_173 : i32 to index
        %parallel_loop3A_175 = arith.index_cast %parallel_loop3A_160 : i32 to index
        %parallel_loop3A_176 = tpu.vector_load %arg10[%parallel_loop3A_174, %parallel_loop3A_175] {strides = array<i32>} : memref<4x4096xf32, #tpu.memory_space<vmem>>, vector<16xf32>,
        tpu.vector_store %arg10[%parallel_loop3A_174, %parallel_loop3A_175], %parallel_loop3A_172 {strides = array<i32>} : memref<4x4096xf32, #tpu.memory_space<vmem>>, vector<16xf32>,
        %parallel_loop3A_177 = arith.constant 2 : i32
        %parallel_loop3A_178 = vector.broadcast %parallel_loop3A_177 : i32 to vector<16xi32>
        %parallel_loop3A_179 = tpu.vector_load_idx %arg6[%parallel_loop3A_178, %parallel_loop3A_162] : memref<4x4096xf32, #tpu.memory_space<vmem>>[vector<16xi32>, vector<16xi32>], vector<16xf32>,
        %parallel_loop3A_180 = arith.constant 2 : i32
        %parallel_loop3A_181 = arith.index_cast %parallel_loop3A_180 : i32 to index
        %parallel_loop3A_182 = arith.index_cast %parallel_loop3A_160 : i32 to index
        %parallel_loop3A_183 = tpu.vector_load %arg10[%parallel_loop3A_181, %parallel_loop3A_182] {strides = array<i32>} : memref<4x4096xf32, #tpu.memory_space<vmem>>, vector<16xf32>,
        tpu.vector_store %arg10[%parallel_loop3A_181, %parallel_loop3A_182], %parallel_loop3A_179 {strides = array<i32>} : memref<4x4096xf32, #tpu.memory_space<vmem>>, vector<16xf32>,
        %parallel_loop3A_184 = arith.constant 3 : i32
        %parallel_loop3A_185 = vector.broadcast %parallel_loop3A_184 : i32 to vector<16xi32>
        %parallel_loop3A_186 = tpu.vector_load_idx %arg6[%parallel_loop3A_185, %parallel_loop3A_162] : memref<4x4096xf32, #tpu.memory_space<vmem>>[vector<16xi32>, vector<16xi32>], vector<16xf32>,
        %parallel_loop3A_187 = arith.constant 3 : i32
        %parallel_loop3A_188 = arith.index_cast %parallel_loop3A_187 : i32 to index
        %parallel_loop3A_189 = arith.index_cast %parallel_loop3A_160 : i32 to index
        %parallel_loop3A_190 = tpu.vector_load %arg10[%parallel_loop3A_188, %parallel_loop3A_189] {strides = array<i32>} : memref<4x4096xf32, #tpu.memory_space<vmem>>, vector<16xf32>,
        tpu.vector_store %arg10[%parallel_loop3A_188, %parallel_loop3A_189], %parallel_loop3A_186 {strides = array<i32>} : memref<4x4096xf32, #tpu.memory_space<vmem>>, vector<16xf32>,
      } {sc.loop_unroll_factor = 8 : i64, sc.parallel_access}
      %mul3A_58 = arith.constant 4 : i32
      %mul3A_59 = arith.muli %add3A_40, %mul3A_58 : i32
      %add3A_60 = arith.addi %mul3A_2, %mul3A_59 : i32
      %dma_start3A_61 = arith.constant 0 : i32
      %dma_start3A_62 = tpu.memref_slice %arg4[%add3A_60, %dma_start3A_61] : memref<16384x4096xf32, #tpu.memory_space<hbm>> -> memref<4x4096xf32, #tpu.memory_space<hbm>>
      %dma_start3A_63 = arith.constant 0 : i32
      %dma_start3A_64 = tpu.memref_slice %arg4[%add3A_60, %dma_start3A_63] : memref<16384x4096xf32, #tpu.memory_space<hbm>> -> memref<4x4096xf32, #tpu.memory_space<hbm>>
      tpu.enqueue_dma source(%arg10 : memref<4x4096xf32, #tpu.memory_space<vmem>>) target(%dma_start3A_64 : memref<4x4096xf32, #tpu.memory_space<hbm>>) target_semaphore(%arg16 : memref<!tpu.dma_semaphore, #tpu.memory_space<semaphore_mem>>)
      %add3A_65 = arith.constant 1 : i32
      %add3A_66 = arith.addi %mul3A_38, %add3A_65 : i32
      %add3A_67 = arith.constant 3 : i32
      %add3A_68 = arith.addi %add3A_66, %add3A_67 : i32
      %lt3A_69 = arith.constant 128 : i32
      %lt3A_70 = arith.cmpi slt, %add3A_68, %lt3A_69 : i32
      %convert_element_type3A_71 = arith.extui %lt3A_70 : i1 to i32
      %cond3A_72 = arith.constant 0 : i32
      %cond3A_73 = arith.cmpi ne, %convert_element_type3A_71, %cond3A_72 : i32
      scf.if %cond3A_73 {
        %add3A_158 = arith.constant 3 : i32
        %add3A_159 = arith.addi %add3A_66, %add3A_158 : i32
        %mul3A_160 = arith.constant 4 : i32
        %mul3A_161 = arith.muli %add3A_159, %mul3A_160 : i32
        %add3A_162 = arith.addi %mul3A_2, %mul3A_161 : i32
        %dma_start3A_163 = arith.constant 0 : i32
        %dma_start3A_164 = tpu.memref_slice %arg2[%add3A_162, %dma_start3A_163] : memref<16384x4096xf32, #tpu.memory_space<hbm>> -> memref<4x4096xf32, #tpu.memory_space<hbm>>
        %dma_start3A_165 = arith.constant 0 : i32
        %dma_start3A_166 = tpu.memref_slice %arg2[%add3A_162, %dma_start3A_165] : memref<16384x4096xf32, #tpu.memory_space<hbm>> -> memref<4x4096xf32, #tpu.memory_space<hbm>>
        tpu.enqueue_dma source(%dma_start3A_166 : memref<4x4096xf32, #tpu.memory_space<hbm>>) target(%arg6 : memref<4x4096xf32, #tpu.memory_space<vmem>>) target_semaphore(%arg12 : memref<!tpu.dma_semaphore, #tpu.memory_space<semaphore_mem>>)
      } else {
      }
      %mul3A_74 = arith.constant 4 : i32
      %mul3A_75 = arith.muli %add3A_66, %mul3A_74 : i32
      %add3A_76 = arith.addi %mul3A_2, %mul3A_75 : i32
      %dma_wait3A_77 = arith.constant 0 : i32
      %dma_wait3A_78 = tpu.memref_slice %arg2[%add3A_76, %dma_wait3A_77] : memref<16384x4096xf32, #tpu.memory_space<hbm>> -> memref<4x4096xf32, #tpu.memory_space<hbm>>
      %dma_wait3A_79 = arith.constant 0 : i32
      %dma_wait3A_80 = tpu.memref_slice %arg2[%add3A_76, %dma_wait3A_79] : memref<16384x4096xf32, #tpu.memory_space<hbm>> -> memref<4x4096xf32, #tpu.memory_space<hbm>>
      tpu.wait_dma2 semaphore(%arg13 : memref<!tpu.dma_semaphore, #tpu.memory_space<semaphore_mem>>) src(%dma_wait3A_80 : memref<4x4096xf32, #tpu.memory_space<hbm>>) dst(%arg7 : memref<4x4096xf32, #tpu.memory_space<vmem>>)
      %gt3A_81 = arith.constant 1 : i32
      %gt3A_82 = arith.cmpi sgt, %add3A_66, %gt3A_81 : i32
      %convert_element_type3A_83 = arith.extui %gt3A_82 : i1 to i32
      %cond3A_84 = arith.constant 0 : i32
      %cond3A_85 = arith.cmpi ne, %convert_element_type3A_83, %cond3A_84 : i32
      scf.if %cond3A_85 {
        %sub3A = arith.constant 2 : i32
        %sub3A_158 = arith.subi %add3A_66, %sub3A : i32
        %mul3A_159 = arith.constant 4 : i32
        %mul3A_160 = arith.muli %sub3A_158, %mul3A_159 : i32
        %add3A_161 = arith.addi %mul3A_2, %mul3A_160 : i32
        %dma_wait3A_162 = arith.constant 0 : i32
        %dma_wait3A_163 = tpu.memref_slice %arg4[%add3A_161, %dma_wait3A_162] : memref<16384x4096xf32, #tpu.memory_space<hbm>> -> memref<4x4096xf32, #tpu.memory_space<hbm>>
        %dma_wait3A_164 = arith.constant 0 : i32
        %dma_wait3A_165 = tpu.memref_slice %arg4[%add3A_161, %dma_wait3A_164] : memref<16384x4096xf32, #tpu.memory_space<hbm>> -> memref<4x4096xf32, #tpu.memory_space<hbm>>
        tpu.wait_dma2 semaphore(%arg17 : memref<!tpu.dma_semaphore, #tpu.memory_space<semaphore_mem>>) src(%arg11 : memref<4x4096xf32, #tpu.memory_space<vmem>>) dst(%dma_wait3A_165 : memref<4x4096xf32, #tpu.memory_space<hbm>>)
      } else {
      }
      %parallel_loop3A_86 = arith.constant 0 : i32
      %parallel_loop3A_87 = arith.constant 256 : i32
      %parallel_loop3A_88 = arith.constant 1 : i32
      scf.for %parallel_loop3A_158 = %parallel_loop3A_86 to %parallel_loop3A_87 step %parallel_loop3A_88  : i32 {
        %parallel_loop3A_159 = arith.constant 16 : i32
        %parallel_loop3A_160 = arith.muli %parallel_loop3A_158, %parallel_loop3A_159 : i32
        %parallel_loop3A_161 = arith.index_cast %parallel_loop3A_160 : i32 to index
        %parallel_loop3A_162 = tpu.vector_load %arg5[%parallel_loop3A_161] {strides = array<i32>} : memref<4096xi32, #tpu.memory_space<vmem>>, vector<16xi32>,
        %parallel_loop3A_163 = arith.constant 0 : i32
        %parallel_loop3A_164 = vector.broadcast %parallel_loop3A_163 : i32 to vector<16xi32>
        %parallel_loop3A_165 = tpu.vector_load_idx %arg7[%parallel_loop3A_164, %parallel_loop3A_162] : memref<4x4096xf32, #tpu.memory_space<vmem>>[vector<16xi32>, vector<16xi32>], vector<16xf32>,
        %parallel_loop3A_166 = arith.constant 0 : i32
        %parallel_loop3A_167 = arith.index_cast %parallel_loop3A_166 : i32 to index
        %parallel_loop3A_168 = arith.index_cast %parallel_loop3A_160 : i32 to index
        %parallel_loop3A_169 = tpu.vector_load %arg11[%parallel_loop3A_167, %parallel_loop3A_168] {strides = array<i32>} : memref<4x4096xf32, #tpu.memory_space<vmem>>, vector<16xf32>,
        tpu.vector_store %arg11[%parallel_loop3A_167, %parallel_loop3A_168], %parallel_loop3A_165 {strides = array<i32>} : memref<4x4096xf32, #tpu.memory_space<vmem>>, vector<16xf32>,
        %parallel_loop3A_170 = arith.constant 1 : i32
        %parallel_loop3A_171 = vector.broadcast %parallel_loop3A_170 : i32 to vector<16xi32>
        %parallel_loop3A_172 = tpu.vector_load_idx %arg7[%parallel_loop3A_171, %parallel_loop3A_162] : memref<4x4096xf32, #tpu.memory_space<vmem>>[vector<16xi32>, vector<16xi32>], vector<16xf32>,
        %parallel_loop3A_173 = arith.constant 1 : i32
        %parallel_loop3A_174 = arith.index_cast %parallel_loop3A_173 : i32 to index
        %parallel_loop3A_175 = arith.index_cast %parallel_loop3A_160 : i32 to index
        %parallel_loop3A_176 = tpu.vector_load %arg11[%parallel_loop3A_174, %parallel_loop3A_175] {strides = array<i32>} : memref<4x4096xf32, #tpu.memory_space<vmem>>, vector<16xf32>,
        tpu.vector_store %arg11[%parallel_loop3A_174, %parallel_loop3A_175], %parallel_loop3A_172 {strides = array<i32>} : memref<4x4096xf32, #tpu.memory_space<vmem>>, vector<16xf32>,
        %parallel_loop3A_177 = arith.constant 2 : i32
        %parallel_loop3A_178 = vector.broadcast %parallel_loop3A_177 : i32 to vector<16xi32>
        %parallel_loop3A_179 = tpu.vector_load_idx %arg7[%parallel_loop3A_178, %parallel_loop3A_162] : memref<4x4096xf32, #tpu.memory_space<vmem>>[vector<16xi32>, vector<16xi32>], vector<16xf32>,
        %parallel_loop3A_180 = arith.constant 2 : i32
        %parallel_loop3A_181 = arith.index_cast %parallel_loop3A_180 : i32 to index
        %parallel_loop3A_182 = arith.index_cast %parallel_loop3A_160 : i32 to index
        %parallel_loop3A_183 = tpu.vector_load %arg11[%parallel_loop3A_181, %parallel_loop3A_182] {strides = array<i32>} : memref<4x4096xf32, #tpu.memory_space<vmem>>, vector<16xf32>,
        tpu.vector_store %arg11[%parallel_loop3A_181, %parallel_loop3A_182], %parallel_loop3A_179 {strides = array<i32>} : memref<4x4096xf32, #tpu.memory_space<vmem>>, vector<16xf32>,
        %parallel_loop3A_184 = arith.constant 3 : i32
        %parallel_loop3A_185 = vector.broadcast %parallel_loop3A_184 : i32 to vector<16xi32>
        %parallel_loop3A_186 = tpu.vector_load_idx %arg7[%parallel_loop3A_185, %parallel_loop3A_162] : memref<4x4096xf32, #tpu.memory_space<vmem>>[vector<16xi32>, vector<16xi32>], vector<16xf32>,
        %parallel_loop3A_187 = arith.constant 3 : i32
        %parallel_loop3A_188 = arith.index_cast %parallel_loop3A_187 : i32 to index
        %parallel_loop3A_189 = arith.index_cast %parallel_loop3A_160 : i32 to index
        %parallel_loop3A_190 = tpu.vector_load %arg11[%parallel_loop3A_188, %parallel_loop3A_189] {strides = array<i32>} : memref<4x4096xf32, #tpu.memory_space<vmem>>, vector<16xf32>,
        tpu.vector_store %arg11[%parallel_loop3A_188, %parallel_loop3A_189], %parallel_loop3A_186 {strides = array<i32>} : memref<4x4096xf32, #tpu.memory_space<vmem>>, vector<16xf32>,
      } {sc.loop_unroll_factor = 8 : i64, sc.parallel_access}
      %mul3A_89 = arith.constant 4 : i32
      %mul3A_90 = arith.muli %add3A_66, %mul3A_89 : i32
      %add3A_91 = arith.addi %mul3A_2, %mul3A_90 : i32
      %dma_start3A_92 = arith.constant 0 : i32
      %dma_start3A_93 = tpu.memref_slice %arg4[%add3A_91, %dma_start3A_92] : memref<16384x4096xf32, #tpu.memory_space<hbm>> -> memref<4x4096xf32, #tpu.memory_space<hbm>>
      %dma_start3A_94 = arith.constant 0 : i32
      %dma_start3A_95 = tpu.memref_slice %arg4[%add3A_91, %dma_start3A_94] : memref<16384x4096xf32, #tpu.memory_space<hbm>> -> memref<4x4096xf32, #tpu.memory_space<hbm>>
      tpu.enqueue_dma source(%arg11 : memref<4x4096xf32, #tpu.memory_space<vmem>>) target(%dma_start3A_95 : memref<4x4096xf32, #tpu.memory_space<hbm>>) target_semaphore(%arg17 : memref<!tpu.dma_semaphore, #tpu.memory_space<semaphore_mem>>)
      %add3A_96 = arith.constant 2 : i32
      %add3A_97 = arith.addi %mul3A_38, %add3A_96 : i32
      %add3A_98 = arith.constant 3 : i32
      %add3A_99 = arith.addi %add3A_97, %add3A_98 : i32
      %lt3A_100 = arith.constant 128 : i32
      %lt3A_101 = arith.cmpi slt, %add3A_99, %lt3A_100 : i32
      %convert_element_type3A_102 = arith.extui %lt3A_101 : i1 to i32
      %cond3A_103 = arith.constant 0 : i32
      %cond3A_104 = arith.cmpi ne, %convert_element_type3A_102, %cond3A_103 : i32
      scf.if %cond3A_104 {
        %add3A_158 = arith.constant 3 : i32
        %add3A_159 = arith.addi %add3A_97, %add3A_158 : i32
        %mul3A_160 = arith.constant 4 : i32
        %mul3A_161 = arith.muli %add3A_159, %mul3A_160 : i32
        %add3A_162 = arith.addi %mul3A_2, %mul3A_161 : i32
        %dma_start3A_163 = arith.constant 0 : i32
        %dma_start3A_164 = tpu.memref_slice %arg2[%add3A_162, %dma_start3A_163] : memref<16384x4096xf32, #tpu.memory_space<hbm>> -> memref<4x4096xf32, #tpu.memory_space<hbm>>
        %dma_start3A_165 = arith.constant 0 : i32
        %dma_start3A_166 = tpu.memref_slice %arg2[%add3A_162, %dma_start3A_165] : memref<16384x4096xf32, #tpu.memory_space<hbm>> -> memref<4x4096xf32, #tpu.memory_space<hbm>>
        tpu.enqueue_dma source(%dma_start3A_166 : memref<4x4096xf32, #tpu.memory_space<hbm>>) target(%arg7 : memref<4x4096xf32, #tpu.memory_space<vmem>>) target_semaphore(%arg13 : memref<!tpu.dma_semaphore, #tpu.memory_space<semaphore_mem>>)
      } else {
      }
      %mul3A_105 = arith.constant 4 : i32
      %mul3A_106 = arith.muli %add3A_97, %mul3A_105 : i32
      %add3A_107 = arith.addi %mul3A_2, %mul3A_106 : i32
      %dma_wait3A_108 = arith.constant 0 : i32
      %dma_wait3A_109 = tpu.memref_slice %arg2[%add3A_107, %dma_wait3A_108] : memref<16384x4096xf32, #tpu.memory_space<hbm>> -> memref<4x4096xf32, #tpu.memory_space<hbm>>
      %dma_wait3A_110 = arith.constant 0 : i32
      %dma_wait3A_111 = tpu.memref_slice %arg2[%add3A_107, %dma_wait3A_110] : memref<16384x4096xf32, #tpu.memory_space<hbm>> -> memref<4x4096xf32, #tpu.memory_space<hbm>>
      tpu.wait_dma2 semaphore(%arg14 : memref<!tpu.dma_semaphore, #tpu.memory_space<semaphore_mem>>) src(%dma_wait3A_111 : memref<4x4096xf32, #tpu.memory_space<hbm>>) dst(%arg8 : memref<4x4096xf32, #tpu.memory_space<vmem>>)
      %gt3A_112 = arith.constant 1 : i32
      %gt3A_113 = arith.cmpi sgt, %add3A_97, %gt3A_112 : i32
      %convert_element_type3A_114 = arith.extui %gt3A_113 : i1 to i32
      %cond3A_115 = arith.constant 0 : i32
      %cond3A_116 = arith.cmpi ne, %convert_element_type3A_114, %cond3A_115 : i32
      scf.if %cond3A_116 {
        %sub3A = arith.constant 2 : i32
        %sub3A_158 = arith.subi %add3A_97, %sub3A : i32
        %mul3A_159 = arith.constant 4 : i32
        %mul3A_160 = arith.muli %sub3A_158, %mul3A_159 : i32
        %add3A_161 = arith.addi %mul3A_2, %mul3A_160 : i32
        %dma_wait3A_162 = arith.constant 0 : i32
        %dma_wait3A_163 = tpu.memref_slice %arg4[%add3A_161, %dma_wait3A_162] : memref<16384x4096xf32, #tpu.memory_space<hbm>> -> memref<4x4096xf32, #tpu.memory_space<hbm>>
        %dma_wait3A_164 = arith.constant 0 : i32
        %dma_wait3A_165 = tpu.memref_slice %arg4[%add3A_161, %dma_wait3A_164] : memref<16384x4096xf32, #tpu.memory_space<hbm>> -> memref<4x4096xf32, #tpu.memory_space<hbm>>
        tpu.wait_dma2 semaphore(%arg16 : memref<!tpu.dma_semaphore, #tpu.memory_space<semaphore_mem>>) src(%arg10 : memref<4x4096xf32, #tpu.memory_space<vmem>>) dst(%dma_wait3A_165 : memref<4x4096xf32, #tpu.memory_space<hbm>>)
      } else {
      }
      %parallel_loop3A_117 = arith.constant 0 : i32
      %parallel_loop3A_118 = arith.constant 256 : i32
      %parallel_loop3A_119 = arith.constant 1 : i32
      scf.for %parallel_loop3A_158 = %parallel_loop3A_117 to %parallel_loop3A_118 step %parallel_loop3A_119  : i32 {
        %parallel_loop3A_159 = arith.constant 16 : i32
        %parallel_loop3A_160 = arith.muli %parallel_loop3A_158, %parallel_loop3A_159 : i32
        %parallel_loop3A_161 = arith.index_cast %parallel_loop3A_160 : i32 to index
        %parallel_loop3A_162 = tpu.vector_load %arg5[%parallel_loop3A_161] {strides = array<i32>} : memref<4096xi32, #tpu.memory_space<vmem>>, vector<16xi32>,
        %parallel_loop3A_163 = arith.constant 0 : i32
        %parallel_loop3A_164 = vector.broadcast %parallel_loop3A_163 : i32 to vector<16xi32>
        %parallel_loop3A_165 = tpu.vector_load_idx %arg8[%parallel_loop3A_164, %parallel_loop3A_162] : memref<4x4096xf32, #tpu.memory_space<vmem>>[vector<16xi32>, vector<16xi32>], vector<16xf32>,
        %parallel_loop3A_166 = arith.constant 0 : i32
        %parallel_loop3A_167 = arith.index_cast %parallel_loop3A_166 : i32 to index
        %parallel_loop3A_168 = arith.index_cast %parallel_loop3A_160 : i32 to index
        %parallel_loop3A_169 = tpu.vector_load %arg10[%parallel_loop3A_167, %parallel_loop3A_168] {strides = array<i32>} : memref<4x4096xf32, #tpu.memory_space<vmem>>, vector<16xf32>,
        tpu.vector_store %arg10[%parallel_loop3A_167, %parallel_loop3A_168], %parallel_loop3A_165 {strides = array<i32>} : memref<4x4096xf32, #tpu.memory_space<vmem>>, vector<16xf32>,
        %parallel_loop3A_170 = arith.constant 1 : i32
        %parallel_loop3A_171 = vector.broadcast %parallel_loop3A_170 : i32 to vector<16xi32>
        %parallel_loop3A_172 = tpu.vector_load_idx %arg8[%parallel_loop3A_171, %parallel_loop3A_162] : memref<4x4096xf32, #tpu.memory_space<vmem>>[vector<16xi32>, vector<16xi32>], vector<16xf32>,
        %parallel_loop3A_173 = arith.constant 1 : i32
        %parallel_loop3A_174 = arith.index_cast %parallel_loop3A_173 : i32 to index
        %parallel_loop3A_175 = arith.index_cast %parallel_loop3A_160 : i32 to index
        %parallel_loop3A_176 = tpu.vector_load %arg10[%parallel_loop3A_174, %parallel_loop3A_175] {strides = array<i32>} : memref<4x4096xf32, #tpu.memory_space<vmem>>, vector<16xf32>,
        tpu.vector_store %arg10[%parallel_loop3A_174, %parallel_loop3A_175], %parallel_loop3A_172 {strides = array<i32>} : memref<4x4096xf32, #tpu.memory_space<vmem>>, vector<16xf32>,
        %parallel_loop3A_177 = arith.constant 2 : i32
        %parallel_loop3A_178 = vector.broadcast %parallel_loop3A_177 : i32 to vector<16xi32>
        %parallel_loop3A_179 = tpu.vector_load_idx %arg8[%parallel_loop3A_178, %parallel_loop3A_162] : memref<4x4096xf32, #tpu.memory_space<vmem>>[vector<16xi32>, vector<16xi32>], vector<16xf32>,
        %parallel_loop3A_180 = arith.constant 2 : i32
        %parallel_loop3A_181 = arith.index_cast %parallel_loop3A_180 : i32 to index
        %parallel_loop3A_182 = arith.index_cast %parallel_loop3A_160 : i32 to index
        %parallel_loop3A_183 = tpu.vector_load %arg10[%parallel_loop3A_181, %parallel_loop3A_182] {strides = array<i32>} : memref<4x4096xf32, #tpu.memory_space<vmem>>, vector<16xf32>,
        tpu.vector_store %arg10[%parallel_loop3A_181, %parallel_loop3A_182], %parallel_loop3A_179 {strides = array<i32>} : memref<4x4096xf32, #tpu.memory_space<vmem>>, vector<16xf32>,
        %parallel_loop3A_184 = arith.constant 3 : i32
        %parallel_loop3A_185 = vector.broadcast %parallel_loop3A_184 : i32 to vector<16xi32>
        %parallel_loop3A_186 = tpu.vector_load_idx %arg8[%parallel_loop3A_185, %parallel_loop3A_162] : memref<4x4096xf32, #tpu.memory_space<vmem>>[vector<16xi32>, vector<16xi32>], vector<16xf32>,
        %parallel_loop3A_187 = arith.constant 3 : i32
        %parallel_loop3A_188 = arith.index_cast %parallel_loop3A_187 : i32 to index
        %parallel_loop3A_189 = arith.index_cast %parallel_loop3A_160 : i32 to index
        %parallel_loop3A_190 = tpu.vector_load %arg10[%parallel_loop3A_188, %parallel_loop3A_189] {strides = array<i32>} : memref<4x4096xf32, #tpu.memory_space<vmem>>, vector<16xf32>,
        tpu.vector_store %arg10[%parallel_loop3A_188, %parallel_loop3A_189], %parallel_loop3A_186 {strides = array<i32>} : memref<4x4096xf32, #tpu.memory_space<vmem>>, vector<16xf32>,
      } {sc.loop_unroll_factor = 8 : i64, sc.parallel_access}
      %mul3A_120 = arith.constant 4 : i32
      %mul3A_121 = arith.muli %add3A_97, %mul3A_120 : i32
      %add3A_122 = arith.addi %mul3A_2, %mul3A_121 : i32
      %dma_start3A_123 = arith.constant 0 : i32
      %dma_start3A_124 = tpu.memref_slice %arg4[%add3A_122, %dma_start3A_123] : memref<16384x4096xf32, #tpu.memory_space<hbm>> -> memref<4x4096xf32, #tpu.memory_space<hbm>>
      %dma_start3A_125 = arith.constant 0 : i32
      %dma_start3A_126 = tpu.memref_slice %arg4[%add3A_122, %dma_start3A_125] : memref<16384x4096xf32, #tpu.memory_space<hbm>> -> memref<4x4096xf32, #tpu.memory_space<hbm>>
      tpu.enqueue_dma source(%arg10 : memref<4x4096xf32, #tpu.memory_space<vmem>>) target(%dma_start3A_126 : memref<4x4096xf32, #tpu.memory_space<hbm>>) target_semaphore(%arg16 : memref<!tpu.dma_semaphore, #tpu.memory_space<semaphore_mem>>)
      %add3A_127 = arith.constant 3 : i32
      %add3A_128 = arith.addi %mul3A_38, %add3A_127 : i32
      %add3A_129 = arith.constant 3 : i32
      %add3A_130 = arith.addi %add3A_128, %add3A_129 : i32
      %lt3A_131 = arith.constant 128 : i32
      %lt3A_132 = arith.cmpi slt, %add3A_130, %lt3A_131 : i32
      %convert_element_type3A_133 = arith.extui %lt3A_132 : i1 to i32
      %cond3A_134 = arith.constant 0 : i32
      %cond3A_135 = arith.cmpi ne, %convert_element_type3A_133, %cond3A_134 : i32
      scf.if %cond3A_135 {
        %add3A_158 = arith.constant 3 : i32
        %add3A_159 = arith.addi %add3A_128, %add3A_158 : i32
        %mul3A_160 = arith.constant 4 : i32
        %mul3A_161 = arith.muli %add3A_159, %mul3A_160 : i32
        %add3A_162 = arith.addi %mul3A_2, %mul3A_161 : i32
        %dma_start3A_163 = arith.constant 0 : i32
        %dma_start3A_164 = tpu.memref_slice %arg2[%add3A_162, %dma_start3A_163] : memref<16384x4096xf32, #tpu.memory_space<hbm>> -> memref<4x4096xf32, #tpu.memory_space<hbm>>
        %dma_start3A_165 = arith.constant 0 : i32
        %dma_start3A_166 = tpu.memref_slice %arg2[%add3A_162, %dma_start3A_165] : memref<16384x4096xf32, #tpu.memory_space<hbm>> -> memref<4x4096xf32, #tpu.memory_space<hbm>>
        tpu.enqueue_dma source(%dma_start3A_166 : memref<4x4096xf32, #tpu.memory_space<hbm>>) target(%arg8 : memref<4x4096xf32, #tpu.memory_space<vmem>>) target_semaphore(%arg14 : memref<!tpu.dma_semaphore, #tpu.memory_space<semaphore_mem>>)
      } else {
      }
      %mul3A_136 = arith.constant 4 : i32
      %mul3A_137 = arith.muli %add3A_128, %mul3A_136 : i32
      %add3A_138 = arith.addi %mul3A_2, %mul3A_137 : i32
      %dma_wait3A_139 = arith.constant 0 : i32
      %dma_wait3A_140 = tpu.memref_slice %arg2[%add3A_138, %dma_wait3A_139] : memref<16384x4096xf32, #tpu.memory_space<hbm>> -> memref<4x4096xf32, #tpu.memory_space<hbm>>
      %dma_wait3A_141 = arith.constant 0 : i32
      %dma_wait3A_142 = tpu.memref_slice %arg2[%add3A_138, %dma_wait3A_141] : memref<16384x4096xf32, #tpu.memory_space<hbm>> -> memref<4x4096xf32, #tpu.memory_space<hbm>>
      tpu.wait_dma2 semaphore(%arg15 : memref<!tpu.dma_semaphore, #tpu.memory_space<semaphore_mem>>) src(%dma_wait3A_142 : memref<4x4096xf32, #tpu.memory_space<hbm>>) dst(%arg9 : memref<4x4096xf32, #tpu.memory_space<vmem>>)
      %gt3A_143 = arith.constant 1 : i32
      %gt3A_144 = arith.cmpi sgt, %add3A_128, %gt3A_143 : i32
      %convert_element_type3A_145 = arith.extui %gt3A_144 : i1 to i32
      %cond3A_146 = arith.constant 0 : i32
      %cond3A_147 = arith.cmpi ne, %convert_element_type3A_145, %cond3A_146 : i32
      scf.if %cond3A_147 {
        %sub3A = arith.constant 2 : i32
        %sub3A_158 = arith.subi %add3A_128, %sub3A : i32
        %mul3A_159 = arith.constant 4 : i32
        %mul3A_160 = arith.muli %sub3A_158, %mul3A_159 : i32
        %add3A_161 = arith.addi %mul3A_2, %mul3A_160 : i32
        %dma_wait3A_162 = arith.constant 0 : i32
        %dma_wait3A_163 = tpu.memref_slice %arg4[%add3A_161, %dma_wait3A_162] : memref<16384x4096xf32, #tpu.memory_space<hbm>> -> memref<4x4096xf32, #tpu.memory_space<hbm>>
        %dma_wait3A_164 = arith.constant 0 : i32
        %dma_wait3A_165 = tpu.memref_slice %arg4[%add3A_161, %dma_wait3A_164] : memref<16384x4096xf32, #tpu.memory_space<hbm>> -> memref<4x4096xf32, #tpu.memory_space<hbm>>
        tpu.wait_dma2 semaphore(%arg17 : memref<!tpu.dma_semaphore, #tpu.memory_space<semaphore_mem>>) src(%arg11 : memref<4x4096xf32, #tpu.memory_space<vmem>>) dst(%dma_wait3A_165 : memref<4x4096xf32, #tpu.memory_space<hbm>>)
      } else {
      }
      %parallel_loop3A_148 = arith.constant 0 : i32
      %parallel_loop3A_149 = arith.constant 256 : i32
      %parallel_loop3A_150 = arith.constant 1 : i32
      scf.for %parallel_loop3A_158 = %parallel_loop3A_148 to %parallel_loop3A_149 step %parallel_loop3A_150  : i32 {
        %parallel_loop3A_159 = arith.constant 16 : i32
        %parallel_loop3A_160 = arith.muli %parallel_loop3A_158, %parallel_loop3A_159 : i32
        %parallel_loop3A_161 = arith.index_cast %parallel_loop3A_160 : i32 to index
        %parallel_loop3A_162 = tpu.vector_load %arg5[%parallel_loop3A_161] {strides = array<i32>} : memref<4096xi32, #tpu.memory_space<vmem>>, vector<16xi32>,
        %parallel_loop3A_163 = arith.constant 0 : i32
        %parallel_loop3A_164 = vector.broadcast %parallel_loop3A_163 : i32 to vector<16xi32>
        %parallel_loop3A_165 = tpu.vector_load_idx %arg9[%parallel_loop3A_164, %parallel_loop3A_162] : memref<4x4096xf32, #tpu.memory_space<vmem>>[vector<16xi32>, vector<16xi32>], vector<16xf32>,
        %parallel_loop3A_166 = arith.constant 0 : i32
        %parallel_loop3A_167 = arith.index_cast %parallel_loop3A_166 : i32 to index
        %parallel_loop3A_168 = arith.index_cast %parallel_loop3A_160 : i32 to index
        %parallel_loop3A_169 = tpu.vector_load %arg11[%parallel_loop3A_167, %parallel_loop3A_168] {strides = array<i32>} : memref<4x4096xf32, #tpu.memory_space<vmem>>, vector<16xf32>,
        tpu.vector_store %arg11[%parallel_loop3A_167, %parallel_loop3A_168], %parallel_loop3A_165 {strides = array<i32>} : memref<4x4096xf32, #tpu.memory_space<vmem>>, vector<16xf32>,
        %parallel_loop3A_170 = arith.constant 1 : i32
        %parallel_loop3A_171 = vector.broadcast %parallel_loop3A_170 : i32 to vector<16xi32>
        %parallel_loop3A_172 = tpu.vector_load_idx %arg9[%parallel_loop3A_171, %parallel_loop3A_162] : memref<4x4096xf32, #tpu.memory_space<vmem>>[vector<16xi32>, vector<16xi32>], vector<16xf32>,
        %parallel_loop3A_173 = arith.constant 1 : i32
        %parallel_loop3A_174 = arith.index_cast %parallel_loop3A_173 : i32 to index
        %parallel_loop3A_175 = arith.index_cast %parallel_loop3A_160 : i32 to index
        %parallel_loop3A_176 = tpu.vector_load %arg11[%parallel_loop3A_174, %parallel_loop3A_175] {strides = array<i32>} : memref<4x4096xf32, #tpu.memory_space<vmem>>, vector<16xf32>,
        tpu.vector_store %arg11[%parallel_loop3A_174, %parallel_loop3A_175], %parallel_loop3A_172 {strides = array<i32>} : memref<4x4096xf32, #tpu.memory_space<vmem>>, vector<16xf32>,
        %parallel_loop3A_177 = arith.constant 2 : i32
        %parallel_loop3A_178 = vector.broadcast %parallel_loop3A_177 : i32 to vector<16xi32>
        %parallel_loop3A_179 = tpu.vector_load_idx %arg9[%parallel_loop3A_178, %parallel_loop3A_162] : memref<4x4096xf32, #tpu.memory_space<vmem>>[vector<16xi32>, vector<16xi32>], vector<16xf32>,
        %parallel_loop3A_180 = arith.constant 2 : i32
        %parallel_loop3A_181 = arith.index_cast %parallel_loop3A_180 : i32 to index
        %parallel_loop3A_182 = arith.index_cast %parallel_loop3A_160 : i32 to index
        %parallel_loop3A_183 = tpu.vector_load %arg11[%parallel_loop3A_181, %parallel_loop3A_182] {strides = array<i32>} : memref<4x4096xf32, #tpu.memory_space<vmem>>, vector<16xf32>,
        tpu.vector_store %arg11[%parallel_loop3A_181, %parallel_loop3A_182], %parallel_loop3A_179 {strides = array<i32>} : memref<4x4096xf32, #tpu.memory_space<vmem>>, vector<16xf32>,
        %parallel_loop3A_184 = arith.constant 3 : i32
        %parallel_loop3A_185 = vector.broadcast %parallel_loop3A_184 : i32 to vector<16xi32>
        %parallel_loop3A_186 = tpu.vector_load_idx %arg9[%parallel_loop3A_185, %parallel_loop3A_162] : memref<4x4096xf32, #tpu.memory_space<vmem>>[vector<16xi32>, vector<16xi32>], vector<16xf32>,
        %parallel_loop3A_187 = arith.constant 3 : i32
        %parallel_loop3A_188 = arith.index_cast %parallel_loop3A_187 : i32 to index
        %parallel_loop3A_189 = arith.index_cast %parallel_loop3A_160 : i32 to index
        %parallel_loop3A_190 = tpu.vector_load %arg11[%parallel_loop3A_188, %parallel_loop3A_189] {strides = array<i32>} : memref<4x4096xf32, #tpu.memory_space<vmem>>, vector<16xf32>,
        tpu.vector_store %arg11[%parallel_loop3A_188, %parallel_loop3A_189], %parallel_loop3A_186 {strides = array<i32>} : memref<4x4096xf32, #tpu.memory_space<vmem>>, vector<16xf32>,
      } {sc.loop_unroll_factor = 8 : i64, sc.parallel_access}
      %mul3A_151 = arith.constant 4 : i32
      %mul3A_152 = arith.muli %add3A_128, %mul3A_151 : i32
      %add3A_153 = arith.addi %mul3A_2, %mul3A_152 : i32
      %dma_start3A_154 = arith.constant 0 : i32
      %dma_start3A_155 = tpu.memref_slice %arg4[%add3A_153, %dma_start3A_154] : memref<16384x4096xf32, #tpu.memory_space<hbm>> -> memref<4x4096xf32, #tpu.memory_space<hbm>>
      %dma_start3A_156 = arith.constant 0 : i32
      %dma_start3A_157 = tpu.memref_slice %arg4[%add3A_153, %dma_start3A_156] : memref<16384x4096xf32, #tpu.memory_space<hbm>> -> memref<4x4096xf32, #tpu.memory_space<hbm>>
      tpu.enqueue_dma source(%arg11 : memref<4x4096xf32, #tpu.memory_space<vmem>>) target(%dma_start3A_157 : memref<4x4096xf32, #tpu.memory_space<hbm>>) target_semaphore(%arg17 : memref<!tpu.dma_semaphore, #tpu.memory_space<semaphore_mem>>)
    }
    %scan3A_24 = arith.constant 32 : i32
    %add3A_25 = arith.constant 504 : i32
    %add3A_26 = arith.addi %mul3A_2, %add3A_25 : i32
    %dma_wait3A = arith.constant 0 : i32
    %dma_wait3A_27 = tpu.memref_slice %arg4[%add3A_26, %dma_wait3A] : memref<16384x4096xf32, #tpu.memory_space<hbm>> -> memref<4x4096xf32, #tpu.memory_space<hbm>>
    %dma_wait3A_28 = arith.constant 0 : i32
    %dma_wait3A_29 = tpu.memref_slice %arg4[%add3A_26, %dma_wait3A_28] : memref<16384x4096xf32, #tpu.memory_space<hbm>> -> memref<4x4096xf32, #tpu.memory_space<hbm>>
    tpu.wait_dma2 semaphore(%arg16 : memref<!tpu.dma_semaphore, #tpu.memory_space<semaphore_mem>>) src(%arg10 : memref<4x4096xf32, #tpu.memory_space<vmem>>) dst(%dma_wait3A_29 : memref<4x4096xf32, #tpu.memory_space<hbm>>)
    %add3A_30 = arith.constant 508 : i32
    %add3A_31 = arith.addi %mul3A_2, %add3A_30 : i32
    %dma_wait3A_32 = arith.constant 0 : i32
    %dma_wait3A_33 = tpu.memref_slice %arg4[%add3A_31, %dma_wait3A_32] : memref<16384x4096xf32, #tpu.memory_space<hbm>> -> memref<4x4096xf32, #tpu.memory_space<hbm>>
    %dma_wait3A_34 = arith.constant 0 : i32
    %dma_wait3A_35 = tpu.memref_slice %arg4[%add3A_31, %dma_wait3A_34] : memref<16384x4096xf32, #tpu.memory_space<hbm>> -> memref<4x4096xf32, #tpu.memory_space<hbm>>
    tpu.wait_dma2 semaphore(%arg17 : memref<!tpu.dma_semaphore, #tpu.memory_space<semaphore_mem>>) src(%arg11 : memref<4x4096xf32, #tpu.memory_space<vmem>>) dst(%dma_wait3A_35 : memref<4x4096xf32, #tpu.memory_space<hbm>>)
    return
  }
}

</mosaic_0001>

<sc_bundles>
// kernel: kernel.3.cloned.1.call-start
scs
__scs_entry_jumppad:
0x0: {  	(pc) =	sbr.rel $0x88, $3  }
0x1: {  	(tag) =	ssettag $0x0;
	lr =	simm.s32 $0x1  }
0x2: {  	[smem:$0x3F9F] =	sst lr;
	_ =	strace $0xD0000000  }
0x3: {  	_ = 	snop  }
0x4: {  	_ = 	snop  }
0x5: {  	_ = 	snop  }
0x6: {  	_ = 	snop  }
0x7: {  	_ = 	snop  }
__scs_overlays_trampoline_lowered:
0x8: {  	[smem:$0x3FAE] =	sst s0  }
0x9: {  	[smem:$0x3FAF] =	sst s1  }
0xa: {  	[smem:$0x3FB0] =	sst s2  }
0xb: {  	[smem:$0x3FB1] =	sst s3  }
0xc: {  	[smem:$0x3FB2] =	sst s4  }
0xd: {  	[smem:$0x3FB3] =	sst s5  }
0xe: {  	[smem:$0x3FB4] =	sst s6  }
0xf: {  	[smem:$0x3FB5] =	sst s7  }
0x10: {  	[smem:$0x3FB6] =	sst s8  }
0x11: {  	[smem:$0x3FB7] =	sst s9;
	s0 =	simm.s32 @!p0 $0x0  }
0x12: {  	s1 =	sld [smem:$0x3F9D];
	s0 =	simm.s32 @p0 $0x1  }
0x13: {  	[smem:$0x3FB8] =	sst s0;
	s0 =	simm.s32 @!p1 $0x0  }
0x14: {  	s2 =	sld [smem:$0x3F9C];
	s0 =	simm.s32 @p1 $0x1  }
0x15: {  	[smem:$0x3FB9] =	sst s0;
	s0 =	simm.s32 @!p2 $0x0  }
0x16: {  	s3 =	sld [smem:$0x3FDB];
	s0 =	simm.s32 @p2 $0x1  }
0x17: {  	s4 =	simm.s32 $0x1BF5;
	[smem:$0x3FBB] =	sst s0  }
0x18: {  	s0 =	sld [smem:$0x3F9E];
	_ =	swait.ge [sflag:s4], $0x0  }
0x19: {  	s7 =	sld [smem:$0x3F9F]  }
0x1a: {  	s8 =	sadd.s32 $0xFFFFE003, lr  }
0x1b: {  	s9 =	sadd.s32 $0xFFFFFEF7, lr;
	s5 =	simm.s32 $0xFFFFFFFF;
	p2 =	slt.u32 s8, $0xFFFFF086  }
0x1c: {  	p1 =	slt.u32 s9, $0xF7A;
	s5 =	simm.s32 @!p2 $0x0  }
0x1d: {  	s5 =	simm.s32 @p1 $0x1;
	p0 =	seq.s32 s7, s2  }
0x1e: {  	s7 =	smul.u32 @!p0 $0xF7A, s2;
	p2 =	seq.s32 @!p0 s5, $0x0  }
0x1f: {  	s9 =	smul.u32 $0xF7A, s1;
	s8 =	simm.s32 @!p0 $0x1BF5;
	p2 =	por !p2, p0  }
0x20: {  	[sflag:s8] =	ssyncset.s32 @!p0 $0xFFFFF086;
	s6 =	sadd.s32 @!p0 s3, s7;
	s7 =	simm.s32 @!p0 $0x108  }
0x21: {  	s3 =	sadd.s32 s3, s9;
	s6 =	sadd.s32 @!p0 $0x88, s6;
	s7 =	simm.s32 @p2 $0x1082  }
0x22: {  	[simem:s7], [sflag:s8] =	dma.local @!p0 [hbm:s6], $0xF7A  }
0x23: {  	s9 =	sor.u32 $0xD0000000, s2;
	s6 =	simm.s32 $0x108;
	_ =	swait.ge @!p0 [sflag:s8], $0x0  }
0x24: {  	s3 =	sadd.s32 $0x88, s3;
	s6 =	simm.s32 @!p1 $0x1082;
	[sflag:s4] =	ssyncset.s32 $0xFFFFF086  }
0x25: {  	[simem:s6], [sflag:s4] =	dma.local [hbm:s3], $0xF7A  }
0x26: {  	[smem:$0x3F9F] =	sst s1;
	(tag) =	ssettag s2;
	_ =	strace s9  }
0x27: {  	s1 =	sld [smem:$0x3FAF]  }
0x28: {  	s2 =	sld [smem:$0x3FB0]  }
0x29: {  	s4 =	sld [smem:$0x3FB2]  }
0x2a: {  	p0 =	seq.s32 s5, $0x0;
	s5 =	sld [smem:$0x3FB3]  }
0x2b: {  	s6 =	sld [smem:$0x3FB4]  }
0x2c: {  	s7 =	sld [smem:$0x3FB5]  }
0x2d: {  	s3 =	simm.s32 $0x108;
	s8 =	sld [smem:$0x3FB6]  }
0x2e: {  	s3 =	simm.s32 @!p0 $0x1082;
	s9 =	sld [smem:$0x3FB7]  }
0x2f: {  	lr =	sadd.s32 s0, s3;
	s0 =	sld [smem:$0x3FAE]  }
0x30: {  	s3 =	sld [smem:$0x3FB1]  }
0x31: {  	[smem:$0x3FBA] =	sst s10  }
0x32: {  	s10 =	sld [smem:$0x3FB8];
	_ =	sdelay $0x3  }
0x33: {  	p0 =	seq.s32 s10, $0x1;
	s10 =	sld [smem:$0x3FBA];
	_ =	sdelay $0x3  }
0x34: {  	[smem:$0x3FBA] =	sst s10  }
0x35: {  	s10 =	sld [smem:$0x3FB9];
	_ =	sdelay $0x3  }
0x36: {  	p1 =	seq.s32 s10, $0x1;
	s10 =	sld [smem:$0x3FBA];
	_ =	sdelay $0x3  }
0x37: {  	[smem:$0x3FBA] =	sst s10  }
0x38: {  	s10 =	sld [smem:$0x3FBB]  }
0x39: {  	_ = 	snop;
	(pc) =	sbr.ind lr, $3  }
0x3a: {  	_ = 	snop  }
0x3b: {  	_ = 	snop  }
0x3c: {  	p2 =	seq.s32 s10, $0x1;
	s10 =	sld [smem:$0x3FBA]  }
0x3d: {  	_ =	shalt  }
0x3e: {  	_ =	shalt  }
0x3f: {  	_ =	shalt  }
0x40: {  	_ =	shalt  }
0x41: {  	_ =	shalt  }
0x42: {  	_ =	shalt  }
0x43: {  	_ =	shalt  }
0x44: {  	_ =	shalt  }
0x45: {  	_ =	shalt  }
0x46: {  	_ =	shalt  }
0x47: {  	_ =	shalt  }
0x48: {  	_ =	shalt  }
0x49: {  	_ =	shalt  }
0x4a: {  	_ =	shalt  }
0x4b: {  	_ =	shalt  }
0x4c: {  	_ =	shalt  }
0x4d: {  	_ =	shalt  }
0x4e: {  	_ =	shalt  }
0x4f: {  	_ =	shalt  }
0x50: {  	_ =	shalt  }
0x51: {  	_ =	shalt  }
0x52: {  	_ =	shalt  }
0x53: {  	_ =	shalt  }
0x54: {  	_ =	shalt  }
0x55: {  	_ =	shalt  }
0x56: {  	_ =	shalt  }
0x57: {  	_ =	shalt  }
0x58: {  	_ =	shalt  }
0x59: {  	_ =	shalt  }
0x5a: {  	_ =	shalt  }
0x5b: {  	_ =	shalt  }
0x5c: {  	_ =	shalt  }
0x5d: {  	_ =	shalt  }
0x5e: {  	_ =	shalt  }
0x5f: {  	_ =	shalt  }
0x60: {  	_ =	shalt  }
0x61: {  	_ =	shalt  }
0x62: {  	_ =	shalt  }
0x63: {  	_ =	shalt  }
0x64: {  	_ =	shalt  }
0x65: {  	_ =	shalt  }
0x66: {  	_ =	shalt  }
0x67: {  	_ =	shalt  }
0x68: {  	_ =	shalt  }
0x69: {  	_ =	shalt  }
0x6a: {  	_ =	shalt  }
0x6b: {  	_ =	shalt  }
0x6c: {  	_ =	shalt  }
0x6d: {  	_ =	shalt  }
0x6e: {  	_ =	shalt  }
0x6f: {  	_ =	shalt  }
0x70: {  	_ =	shalt  }
0x71: {  	_ =	shalt  }
0x72: {  	_ =	shalt  }
0x73: {  	_ =	shalt  }
0x74: {  	_ =	shalt  }
0x75: {  	_ =	shalt  }
0x76: {  	_ =	shalt  }
0x77: {  	_ =	shalt  }
0x78: {  	_ =	shalt  }
0x79: {  	_ =	shalt  }
0x7a: {  	_ =	shalt  }
0x7b: {  	_ =	shalt  }
0x7c: {  	_ =	shalt  }
0x7d: {  	_ =	shalt  }
0x7e: {  	_ =	shalt  }
0x7f: {  	_ =	shalt  }
0x80: {  	_ =	shalt  }
0x81: {  	_ =	shalt  }
0x82: {  	_ =	shalt  }
0x83: {  	_ =	shalt  }
0x84: {  	_ =	shalt  }
0x85: {  	_ =	shalt  }
0x86: {  	_ =	shalt  }
0x87: {  	_ =	shalt  }
.Lfunc_end0:
.L_simem_size_0:
called_computation_lowered:
.L_overlay_start_0:
0x88: {  	s2 =	sld [smem:$0x3FD9]  }
0x89: {  	s3 =	sld [smem:$0x3FFE];
	_ =	sdelay $0x1  }
0x8a: {  	s1 =	srdreg.scid  }
0x8b: {  	s0 =	sand.u32 $0x1, s1  }
0x8c: {  	s18 =	sshll.u32 s0, $0xA;
	s2 =	sadd.s32 s3, s2  }
0x8d: {  	s2 =	sadd.s32 s2, s18  }
0x8e: {  	[smem:$0x3FC6] =	sst s2  }
0x8f: {  	_ = 	snop  }
0x90: {  	s2 =	sld [smem:$0x3FC9]  }
0x91: {  	s19 =	sld [smem:$0x3FC8]  }
0x92: {  	s4 =	sld [smem:$0x3FD0];
	(tm) =	ssettm $0x1  }
0x93: {  	s5 =	sld [smem:$0x3FFB];
	_ =	sdelay $0x3  }
0x94: {  	_ =	strace s5  }
0x95: {  	s5 =	sld [smem:$0x3FFC];
	_ =	sdelay $0x3  }
0x96: {  	_ =	strace s5  }
0x97: {  	s5 =	sld [smem:$0x3FFD];
	_ =	sdelay $0x3  }
0x98: {  	_ =	strace s5  }
0x99: {  	_ =	strace $0x8FFFFFFF  }
0x9a: {  	s20 =	sld [smem:$0x3FDB];
	_ =	sdelay $0x1  }
0x9b: {  	s6 =	simm.s32 $_scs_section_size  }
0x9c: {  	s7 =	simm.s32 $_size__tile_overlayer_lowered;
	s8 =	simm.s32 $_tile_overlayer_lowered  }
0x9d: {  	s23 =	simm.s32 $0x1BFF;
	s22 =	sshll.u32 s8, $0x1;
	s5 =	sadd.s32 s6, s20  }
0x9e: {  	s9 =	simm.s32 $0x0;
	s21 =	sshll.u32 s7, $0x1;
	s7 =	sadd.s32 s22, s5  }
0x9f: {  	[timem:s9], [sflag:s23] =	dma.local [hbm:s7], s21  }
0xa0: {  	_ =	swait.ge [sflag:s23], s21  }
0xa1: {  	s6 =	ssub.s32 $0x0, s21;
	[sflag:s23] =	ssyncset.done $0x0  }
0xa2: {  	[sflag:s23] =	ssyncadd.s32 s6;
	_ =	sdelay $0x1  }
0xa3: {  	s24 =	simm.s32 $0x1B8B  }
0xa4: {  	_ =	swait.ge [sflag:s24], $0x1  }
0xa5: {  	[sflag:s24] =	ssyncset.done $0x0  }
0xa6: {  	s25 =	simm.s32 $0x1B8E;
	[sflag:s24] =	ssyncadd.s32 $0xFFFFFFFF  }
0xa7: {  	s26 =	simm.s32 $execute0_lowered;
	[smem:$0x3FD2] =	sst s25  }
0xa8: {  	s6 =	sshll.u32 s26, $0x1;
	_ =	strace $0x80000046;
	[dreg:$0x1] =	wrdreg $0xFFFFFFFF  }
0xa9: {  	s28 =	simm.s32 $_size_execute0_lowered;
	s5 =	sadd.s32 s5, s6;
	[dreg:$0x0] =	wrdreg $0x0  }
0xaa: {  	s6 =	sshll.u32 s28, $0x1;
	[dreg:$0x2] =	wrdreg s5  }
0xab: {  	[dreg:$0x3] =	wrdreg s6  }
0xac: {  	[dreg:$0x4] =	wrdreg $0xC0  }
0xad: {  	_ =	task [dreg:s9], $0x5FFFF  }
0xae: {  	[dreg:$0x1] =	wrdreg $0xFFFFFFFF  }
0xaf: {  	[dreg:$0x0] =	wrdreg $0x60  }
0xb0: {  	[dreg:$0x2] =	wrdreg s2  }
0xb1: {  	[dreg:$0x3] =	wrdreg s19  }
0xb2: {  	[dreg:$0x4] =	wrdreg s4  }
0xb3: {  	[dreg:$0x5] =	wrdreg $0x9  }
0xb4: {  	_ =	task.clear_ibuf [dreg:s9], $0x6FFFF;
	_ =	strace $0x90000046  }
0xb5: {  	s29 =	simm.s32 $0x9;
	_ =	strace $0x80000048  }
0xb6: {  	_ =	swait.ge [sflag:s29], $0x1  }
0xb7: {  	[sflag:s29] =	ssyncadd.s32 $0xFFFFFFFF  }
0xb8: {  	_ =	strace $0x90000048  }
0xb9: {  	_ =	sfence  }
0xba: {  	s30 =	sld [smem:$0x0];
	_ =	sdelay $0x2  }
0xbb: {  	s31 =	sshll.u32 s1, $0xD;
	s1 =	sshrl.u32 s1, $0x2  }
0xbc: {  	s3 =	sand.u32 $0x4000, s31;
	s1 =	sadd.s32 s1, s30  }
0xbd: {  	s0 =	sor.u32 s3, s0;
	s1 =	sshll.u32 s1, $0x11  }
0xbe: {  	s0 =	sor.u32 s1, s0  }
0xbf: {  	s0 =	sadd.s32 $0x8F2B, s0  }
0xc0: {  	[sflag:s0] =	ssyncadd.remote.s32 $0x1  }
0xc1: {  	_ =	sfence.sel $0xFFFF  }
0xc2: {  	[dreg:$0x0] =	wrdreg $0xFFFFFFFF;
	(pc) =	sbr.abs _section_cstart, $3  }
0xc3: {  	[dreg:$0x1] =	wrdreg $0xFFFFFFFF  }
0xc4: {  	_ =	task.clear_ibuf [dreg:s9], $0x2FFFF;
	_ =	strace $0x9FFFFFFF  }
0xc5: {  	(tm) =	ssettm $0x7FFFFFFF  }
tec
execute0_lowered:
.L_overlay_start_1:
0x0: {  	(tag) =	ssettag $0x1  }
0x1: {  	s2 =	rddreg [dreg:$0x0];
	s0 =	srdreg.scid  }
0x2: {  	s4 =	rddreg [dreg:$0x2];
	s1 =	stileid.u32  }
0x3: {  	s5 =	simm.s32 $0x0;
	s18 =	simm.s32 $0x200;
	s19 =	simm.s32 $0x400  }
0x4: {  	s20 =	simm.s32 $0x1000;
	s21 =	simm.s32 $0x5000;
	s22 =	simm.s32 $0x9000  }
0x5: {  	s23 =	simm.s32 $0xD000;
	s28 =	simm.s32 $0x6;
	s29 =	simm.s32 $0x15000  }
0x6: {  	s30 =	simm.s32 $0x3;
	s31 =	simm.s32 $0x5;
	s0 =	sand.u32 $0x1, s0  }
0x7: {  	s1 =	sshll.u32 s1, $0x13;
	[smem:$0x7FF] =	sst s5;
	s12 =	sadd.s32 $0x40, s4  }
0x8: {  	s14 =	sadd.s32 $0x1000, s4;
	s3 =	sshll.u32 s0, $0x12;
	s0 =	ssub.s32 $0x2, s0  }
0x9: {  	_ =	strace $0x80000047;
	s6 =	sor.u32 s3, s1;
	s24 =	sshrl.u32 s0, $0x1  }
0xa: {  	s3 =	sadd.s32 s2, s6;
	s0 =	ssub.s32 s0, s24;
	s10 =	sor.u32 $0x1040, s6  }
0xb: {  	s24 =	simm.s32 $0x1;
	s25 =	sadd.s32 $0x40, s3;
	[dreg:$0x4] =	wrdreg s3  }
0xc: {  	s26 =	sadd.s32 $0x1000, s3;
	s11 =	sadd.s32 $0x2000, s3;
	[dreg:$0x5] =	wrdreg s25  }
0xd: {  	s13 =	sadd.s32 $0x2040, s3;
	s0 =	smax.u32 s0, $0x1;
	[dreg:$0x6] =	wrdreg s26  }
0xe: {  	s15 =	sadd.s32 $0x3000, s3;
	s3 =	simm.s32 $0x0;
	[dreg:$0x7] =	wrdreg s0  }
0xf: {  	s25 =	simm.s32 $0x11000;
	s26 =	simm.s32 $0x2;
	s0 =	simm.s32 $0x4  }
.LBB2_1:
0x10: {  	[dreg:$0x8] =	wrdreg s3  }
0x11: {  	s1 =	rddreg [dreg:$0x1];
	s7 =	simm.s32 $0x0;
	s8 =	simm.s32 $0x7  }
0x12: {  	[tilespmem:s7], [sflag:$0x7] =	stream.linear.gather [hbm4b:s1+s7], $0x1000, $0x38;
	[tilespmem:$0x19000] =	vst v63  }
0x13: {  	_ =	swait.ge [sflag:s8], $0x1000  }
0x14: {  	[sflag:s8] =	ssyncset.done $0x0  }
0x15: {  	s9 =	rddreg [dreg:$0x4];
	[sflag:s8] =	ssyncadd.s32 $0xFFFFF000  }
0x16: {  	[tilespmem:s20], [sflag:$0x1] =	stream.strided.gather [hbm4b:s9+s18], $0x4000, s19, s18, $0x38;
	[tilespmem:$0x19000] =	vst v63  }
0x17: {  	s16 =	rddreg [dreg:$0x5]  }
0x18: {  	[tilespmem:s21], [sflag:$0x2] =	stream.strided.gather [hbm4b:s16+s18], $0x4000, s19, s18, $0x38;
	[tilespmem:$0x19000] =	vst v63  }
0x19: {  	s3 =	simm.s32 $0x0;
	s17 =	rddreg [dreg:$0x6]  }
0x1a: {  	[tilespmem:s22], [sflag:$0x3] =	stream.strided.gather [hbm4b:s17+s18], $0x4000, s19, s18, $0x38;
	[tilespmem:$0x19000] =	vst v63  }
.LBB2_2:
0x1b: {  	s8 =	sshll.u32 s3, $0xD  }
0x1c: {  	s5 =	sadd.s32 s10, s8  }
0x1d: {  	s1 =	sadd.s32 s2, s5  }
0x1e: {  	[tilespmem:s23], [sflag:$0x4] =	stream.strided.gather [hbm4b:s1+s18], $0x4000, s19, s18, $0x38;
	[tilespmem:$0x19000] =	vst v63  }
0x1f: {  	_ =	swait.ge [sflag:s24], $0x4000  }
0x20: {  	p0 =	seq.s32 s3, $0x0;
	[sflag:s24] =	ssyncset.done $0x0  }
0x21: {  	s1 =	simm.s32 @!p0 $0x5;
	[sflag:s24] =	ssyncadd.s32 $0xFFFFC000  }
0x22: {  	_ =	swait.ge @!p0 [sflag:s1], $0x4000  }
0x23: {  	[sflag:s1] =	ssyncset.done @!p0 $0x0  }
0x24: {  	s17 =	simm.s32 $0x40;
	[sflag:s1] =	ssyncadd.s32 @!p0 $0xFFFFC000  }
0x25: {  	v0 =	vld [tilespmem:s17+$0xFFFFFFC0]  }
0x26: {  	v1 =	vld [tilespmem:s17+$0x10]  }
0x27: {  	v3 =	vld [tilespmem:s17+$0xFFFFFFE0]  }
0x28: {  	v2 =	vld [tilespmem:s17+$0x0];
	_ =	sdelay $0x1  }
0x29: {  	v6 =	vld [tilespmem:s17+$0x20]  }
0x2a: {  	v7 =	vld [tilespmem:s17+$0xFFFFFFF0];
	v4 =	vshll.u32 v0, $0x2;
	v0 =	vand.u32 $0x7F, v0;
	v5 =	vshll.u32 v1, $0x2  }
0x2b: {  	v1 =	vand.u32 $0x7F, v1;
	v9 =	vshll.u32 v3, $0x2;
	v4 =	vand.u32 $0xFFFFFE00, v4  }
0x2c: {  	v8 =	vld [tilespmem:s17+$0xFFFFFFD0];
	v3 =	vand.u32 $0x7F, v3;
	v4 =	vor.u32 v0, v4;
	v0 =	vshll.u32 v2, $0x2  }
0x2d: {  	v5 =	vand.u32 $0xFFFFFE00, v5;
	v2 =	vand.u32 $0x7F, v2;
	v0 =	vand.u32 $0xFFFFFE00, v0  }
0x2e: {  	v5 =	vor.u32 v1, v5;
	v0 =	vor.u32 v2, v0;
	v2 =	vand.u32 $0xFFFFFE00, v9;
	v9 =	vld [tilespmem:s17+$0x30]  }
0x2f: {  	v11 =	vand.u32 $0x7F, v7;
	v2 =	vor.u32 v3, v2;
	v3 =	vshll.u32 v6, $0x2  }
0x30: {  	v1 =	vand.u32 $0x7F, v6;
	v12 =	vor.u32 $0x80, v4;
	v3 =	vand.u32 $0xFFFFFE00, v3  }
0x31: {  	v6 =	vshll.u32 v7, $0x2;
	v10 =	vld.idx.msk [tilespmem:v4+s20+$0x0], $0xffff;
	v1 =	vor.u32 v1, v3;
	v3 =	vshll.u32 v8, $0x2  }
0x32: {  	v6 =	vand.u32 $0xFFFFFE00, v6;
	v8 =	vand.u32 $0x7F, v8;
	v3 =	vand.u32 $0xFFFFFE00, v3  }
0x33: {  	v6 =	vor.u32 v11, v6;
	v17 =	vld.idx.msk [tilespmem:v5+s20+$0x0], $0xffff;
	v7 =	vor.u32 v8, v3;
	v3 =	vshll.u32 v9, $0x2  }
0x34: {  	v13 =	vld.idx.msk [tilespmem:v0+s20+$0x0], $0xffff;
	v8 =	vand.u32 $0x7F, v9;
	v3 =	vand.u32 $0xFFFFFE00, v3  }
0x35: {  	s16 =	simm.s32 $0x11100;
	v11 =	vld.idx.msk [tilespmem:v2+s20+$0x0], $0xffff;
	v3 =	vor.u32 v8, v3  }
0x36: {  	v20 =	vor.u32 $0x80, v0;
	[tilespmem:s16+$0xFFFFFF00] =	vst v10;
	v9 =	vld.idx.msk [tilespmem:v1+s20+$0x0], $0xffff  }
0x37: {  	v18 =	vld.idx.msk [tilespmem:v12+s20+$0x0], $0xffff;
	v12 =	vor.u32 $0x80, v5  }
0x38: {  	s7 =	simm.s32 $0x0;
	v15 =	vor.u32 $0x80, v2;
	v16 =	vld.idx.msk [tilespmem:v6+s20+$0x0], $0xffff  }
0x39: {  	s9 =	sor.u32 s6, s8;
	s1 =	simm.s32 $0x11100;
	s17 =	simm.s32 $0xC0;
	v14 =	vor.u32 $0x80, v7;
	v8 =	vor.u32 $0x80, v3;
	v10 =	vor.u32 $0x80, v1;
	v19 =	vld.idx.msk [tilespmem:v7+s20+$0x0], $0xffff  }
.LBB2_3:
0x3a: {  	s7 =	sadd.s32 $0x8, s7;
	[tilespmem:s16+$0xFFFFFF40] =	vst v13;
	v13 =	vld.idx.msk [tilespmem:v3+s20+$0x0], $0xffff;
	s1 =	sadd.s32 $0x200, s1  }
0x3b: {  	p1 =	slt.u32 s7, $0xF8;
	v20 =	vld.idx.msk [tilespmem:v20+s20+$0x0], $0xffff;
	[tilespmem:s16+$0xFFFFFF50] =	vst v17  }
0x3c: {  	v17 =	vor.u32 $0x100, v4;
	v12 =	vld.idx.msk [tilespmem:v12+s20+$0x0], $0xffff  }
0x3d: {  	v21 =	vld [tilespmem:s17+$0x10];
	[tilespmem:s16+$0xFFFFFF80] =	vst v18  }
0x3e: {  	v18 =	vld [tilespmem:s17+$0xFFFFFFE0];
	[tilespmem:s16+$0xFFFFFF10] =	vst v19;
	v19 =	vor.u32 $0x80, v6  }
0x3f: {  	v14 =	vld.idx.msk [tilespmem:v14+s20+$0x0], $0xffff;
	[tilespmem:s16+$0xFFFFFF20] =	vst v11  }
0x40: {  	v11 =	vld.idx.msk [tilespmem:v15+s20+$0x0], $0xffff;
	[tilespmem:s16+$0xFFFFFF70] =	vst v13  }
0x41: {  	v13 =	vld.idx.msk [tilespmem:v17+s20+$0x0], $0xffff;
	[tilespmem:s16+$0xFFFFFFC0] =	vst v20  }
0x42: {  	v15 =	vld [tilespmem:s17+$0xFFFFFFF0];
	[tilespmem:s16+$0xFFFFFF30] =	vst v16  }
0x43: {  	v16 =	vld.idx.msk [tilespmem:v19+s20+$0x0], $0xffff;
	[tilespmem:s16+$0xFFFFFFD0] =	vst v12  }
0x44: {  	v12 =	vld [tilespmem:s17+$0xFFFFFFC0];
	[tilespmem:s16+$0xFFFFFF60] =	vst v9  }
0x45: {  	[tilespmem:s16+$0xFFFFFF90] =	vst v14;
	v8 =	vld.idx.msk [tilespmem:v8+s20+$0x0], $0xffff  }
0x46: {  	v9 =	vld [tilespmem:s17+$0x20];
	[tilespmem:s16+$0xFFFFFFA0] =	vst v11;
	v11 =	vor.u32 $0x100, v5  }
0x47: {  	v14 =	vld [tilespmem:s17+$0x30];
	[tilespmem:s16+$0x0] =	vst v13;
	v13 =	vor.u32 $0x100, v7  }
0x48: {  	v19 =	vor.u32 $0x100, v6;
	v17 =	vld [tilespmem:s17+$0xFFFFFFD0]  }
0x49: {  	v20 =	vor.u32 $0x180, v4;
	[tilespmem:s16+$0xFFFFFFB0] =	vst v16;
	v10 =	vld.idx.msk [tilespmem:v10+s20+$0x0], $0xffff  }
0x4a: {  	v22 =	vor.u32 $0x100, v2;
	v23 =	vor.u32 $0x180, v5;
	v5 =	vor.u32 $0x100, v1;
	v16 =	vld [tilespmem:s17+$0x0]  }
0x4b: {  	v24 =	vor.u32 $0x100, v0;
	v4 =	vshll.u32 v12, $0x2;
	v11 =	vld.idx.msk [tilespmem:v11+s20+$0x0], $0xffff;
	[tilespmem:s16+$0xFFFFFFF0] =	vst v8;
	v8 =	vor.u32 $0x100, v3  }
0x4c: {  	v4 =	vand.u32 $0xFFFFFE00, v4;
	v25 =	vand.u32 $0x7F, v14;
	v14 =	vshll.u32 v14, $0x2;
	v13 =	vld.idx.msk [tilespmem:v13+s20+$0x0], $0xffff  }
0x4d: {  	v6 =	vor.u32 $0x180, v6;
	v12 =	vand.u32 $0x7F, v12;
	v14 =	vand.u32 $0xFFFFFE00, v14;
	v19 =	vld.idx.msk [tilespmem:v19+s20+$0x0], $0xffff  }
0x4e: {  	v7 =	vor.u32 $0x180, v7;
	v4 =	vor.u32 v12, v4;
	v12 =	vshll.u32 v21, $0x2;
	v20 =	vld.idx.msk [tilespmem:v20+s20+$0x0], $0xffff  }
0x4f: {  	v26 =	vshll.u32 v15, $0x2;
	v14 =	vor.u32 v25, v14;
	v27 =	vshll.u32 v16, $0x2;
	v22 =	vld.idx.msk [tilespmem:v22+s20+$0x0], $0xffff;
	[tilespmem:s16+$0xFFFFFFE0] =	vst v10  }
0x50: {  	v21 =	vand.u32 $0x7F, v21;
	v10 =	vand.u32 $0xFFFFFE00, v26;
	v16 =	vand.u32 $0x7F, v16;
	v25 =	vld.idx.msk [tilespmem:v5+s20+$0x0], $0xffff  }
0x51: {  	v12 =	vand.u32 $0xFFFFFE00, v12;
	v26 =	vor.u32 $0x180, v2;
	v5 =	vand.u32 $0xFFFFFE00, v27;
	[tilespmem:s16+$0x50] =	vst v11;
	v8 =	vld.idx.msk [tilespmem:v8+s20+$0x0], $0xffff  }
0x52: {  	v2 =	vshll.u32 v18, $0x2;
	v11 =	vor.u32 v16, v5;
	v5 =	vor.u32 v21, v12;
	[tilespmem:s16+$0x10] =	vst v13;
	v12 =	vld.idx.msk [tilespmem:v24+s20+$0x0], $0xffff  }
0x53: {  	v2 =	vand.u32 $0xFFFFFE00, v2;
	v13 =	vor.u32 $0x180, v3;
	v3 =	vmov v14;
	v7 =	vld.idx.msk [tilespmem:v7+s20+$0x0], $0xffff;
	[tilespmem:s16+$0x30] =	vst v19  }
0x54: {  	v14 =	vand.u32 $0x7F, v18;
	v18 =	vor.u32 $0x180, v0;
	v0 =	vmovc v11;
	v19 =	vor.u32 $0x180, v1;
	[tilespmem:s16+$0x80] =	vst v20;
	v16 =	vld.idx.msk [tilespmem:v6+s20+$0x0], $0xffff  }
0x55: {  	v21 =	vor.u32 $0x80, v4;
	v2 =	vor.u32 v14, v2;
	v1 =	vand.u32 $0x7F, v15;
	[tilespmem:s16+$0x20] =	vst v22;
	v11 =	vld.idx.msk [tilespmem:v23+s20+$0x0], $0xffff  }
0x56: {  	v6 =	vor.u32 v1, v10;
	v1 =	vshll.u32 v9, $0x2;
	v10 =	vld.idx.msk [tilespmem:v26+s20+$0x0], $0xffff;
	[tilespmem:s16+$0x60] =	vst v25  }
0x57: {  	v9 =	vand.u32 $0x7F, v9;
	v1 =	vand.u32 $0xFFFFFE00, v1;
	v15 =	vld.idx.msk [tilespmem:v4+s20+$0x0], $0xffff;
	[tilespmem:s16+$0x70] =	vst v8  }
0x58: {  	v1 =	vor.u32 v9, v1;
	[tilespmem:s16+$0x40] =	vst v12;
	v22 =	vld.idx.msk [tilespmem:v13+s20+$0x0], $0xffff  }
0x59: {  	v8 =	vshll.u32 v17, $0x2;
	v12 =	vor.u32 $0x80, v5;
	v13 =	vld.idx.msk [tilespmem:v0+s20+$0x0], $0xffff;
	[tilespmem:s16+$0x90] =	vst v7  }
0x5a: {  	v9 =	vand.u32 $0xFFFFFE00, v8;
	v8 =	vor.u32 $0x80, v3;
	v7 =	vand.u32 $0x7F, v17;
	[tilespmem:s16+$0xB0] =	vst v16;
	v16 =	vld.idx.msk [tilespmem:v18+s20+$0x0], $0xffff  }
0x5b: {  	v7 =	vor.u32 v7, v9;
	[tilespmem:s16+$0xD0] =	vst v11;
	v23 =	vld.idx.msk [tilespmem:v19+s20+$0x0], $0xffff  }
0x5c: {  	v14 =	vor.u32 $0x80, v7;
	v11 =	vld.idx.msk [tilespmem:v2+s20+$0x0], $0xffff  }
.Ltmp0:
0x5d: {  	[tilespmem:s1+$0xFFFFFF00] =	vst v15;
	v15 =	vor.u32 $0x80, v2;
	v17 =	vld.idx.msk [tilespmem:v5+s20+$0x0], $0xffff;
	(pc) =	sbr.rel @p1 .LBB2_3-.Ltmp0, $4  }
0x5e: {  	v20 =	vor.u32 $0x80, v0;
	v9 =	vld.idx.msk [tilespmem:v1+s20+$0x0], $0xffff;
	[tilespmem:s16+$0xF0] =	vst v22  }
0x5f: {  	v18 =	vld.idx.msk [tilespmem:v21+s20+$0x0], $0xffff;
	[tilespmem:s16+$0xA0] =	vst v10  }
0x60: {  	v19 =	vld.idx.msk [tilespmem:v7+s20+$0x0], $0xffff;
	[tilespmem:s16+$0xC0] =	vst v16  }
0x61: {  	s17 =	sadd.s32 $0x80, s17;
	v10 =	vor.u32 $0x80, v1;
	v16 =	vld.idx.msk [tilespmem:v6+s20+$0x0], $0xffff;
	[tilespmem:s16+$0xE0] =	vst v23;
	s16 =	smov.u32 s1  }
0x62: {  	_ =	sdelay $0x1  }
0x63: {  	[tilespmem:s16+$0xFFFFFF40] =	vst v13  }
0x64: {  	[tilespmem:s16+$0xFFFFFF50] =	vst v17  }
0x65: {  	v34 =	vld.idx.msk [tilespmem:v3+s20+$0x0], $0xffff;
	[tilespmem:s16+$0xFFFFFF20] =	vst v11  }
0x66: {  	v36 =	vor.u32 $0x80, v6;
	v35 =	vld.idx.msk [tilespmem:v20+s20+$0x0], $0xffff;
	[tilespmem:s16+$0xFFFFFF60] =	vst v9  }
0x67: {  	v37 =	vor.u32 $0x100, v4;
	v12 =	vld.idx.msk [tilespmem:v12+s20+$0x0], $0xffff;
	[tilespmem:s16+$0xFFFFFF80] =	vst v18  }
0x68: {  	v39 =	vld.idx.msk [tilespmem:v15+s20+$0x0], $0xffff;
	[tilespmem:s16+$0xFFFFFF10] =	vst v19  }
0x69: {  	v40 =	vor.u32 $0x100, v5;
	v9 =	vld.idx.msk [tilespmem:v10+s20+$0x0], $0xffff;
	[tilespmem:s16+$0xFFFFFF30] =	vst v16  }
0x6a: {  	v46 =	vor.u32 $0x100, v2;
	v38 =	vld.idx.msk [tilespmem:v14+s20+$0x0], $0xffff;
	[tilespmem:s16+$0xFFFFFF70] =	vst v34  }
0x6b: {  	v51 =	vor.u32 $0x100, v0;
	v41 =	vld.idx.msk [tilespmem:v36+s20+$0x0], $0xffff;
	[tilespmem:s16+$0xFFFFFFC0] =	vst v35  }
0x6c: {  	v49 =	vor.u32 $0x100, v1;
	v43 =	vld.idx.msk [tilespmem:v37+s20+$0x0], $0xffff;
	[tilespmem:s16+$0xFFFFFFD0] =	vst v12  }
0x6d: {  	v42 =	vor.u32 $0x100, v7;
	v8 =	vld.idx.msk [tilespmem:v8+s20+$0x0], $0xffff;
	[tilespmem:s16+$0xFFFFFFA0] =	vst v39  }
0x6e: {  	v44 =	vor.u32 $0x100, v6;
	v47 =	vld.idx.msk [tilespmem:v40+s20+$0x0], $0xffff;
	[tilespmem:s16+$0xFFFFFFE0] =	vst v9  }
0x6f: {  	v45 =	vor.u32 $0x180, v4;
	v54 =	vld.idx.msk [tilespmem:v46+s20+$0x0], $0xffff;
	[tilespmem:s16+$0xFFFFFF90] =	vst v38  }
0x70: {  	v48 =	vor.u32 $0x100, v3;
	v60 =	vld.idx.msk [tilespmem:v51+s20+$0x0], $0xffff;
	[tilespmem:s16+$0xFFFFFFB0] =	vst v41  }
0x71: {  	v55 =	vor.u32 $0x180, v5;
	v57 =	vld.idx.msk [tilespmem:v49+s20+$0x0], $0xffff;
	[tilespmem:s16+$0x0] =	vst v43  }
0x72: {  	v59 =	vor.u32 $0x180, v2;
	v50 =	vld.idx.msk [tilespmem:v42+s20+$0x0], $0xffff;
	[tilespmem:s16+$0xFFFFFFF0] =	vst v8  }
0x73: {  	v61 =	vor.u32 $0x180, v0;
	v12 =	vld.idx.msk [tilespmem:v44+s20+$0x0], $0xffff;
	[tilespmem:s16+$0x50] =	vst v47  }
0x74: {  	v63 =	vor.u32 $0x180, v1;
	v4 =	vld.idx.msk [tilespmem:v45+s20+$0x0], $0xffff;
	[tilespmem:s16+$0x20] =	vst v54  }
0x75: {  	v52 =	vor.u32 $0x180, v7;
	v56 =	vld.idx.msk [tilespmem:v48+s20+$0x0], $0xffff;
	[tilespmem:s16+$0x40] =	vst v60  }
0x76: {  	v53 =	vor.u32 $0x180, v6;
	v5 =	vld.idx.msk [tilespmem:v55+s20+$0x0], $0xffff;
	[tilespmem:s16+$0x60] =	vst v57  }
0x77: {  	v58 =	vor.u32 $0x180, v3;
	v2 =	vld.idx.msk [tilespmem:v59+s20+$0x0], $0xffff;
	[tilespmem:s16+$0x10] =	vst v50  }
0x78: {  	v0 =	vld.idx.msk [tilespmem:v61+s20+$0x0], $0xffff;
	[tilespmem:s16+$0x30] =	vst v12  }
0x79: {  	v1 =	vld.idx.msk [tilespmem:v63+s20+$0x0], $0xffff;
	[tilespmem:s16+$0x80] =	vst v4  }
0x7a: {  	v7 =	vld.idx.msk [tilespmem:v52+s20+$0x0], $0xffff;
	[tilespmem:s16+$0x70] =	vst v56  }
0x7b: {  	v62 =	vld.idx.msk [tilespmem:v53+s20+$0x0], $0xffff;
	[tilespmem:s16+$0xD0] =	vst v5  }
0x7c: {  	v3 =	vld.idx.msk [tilespmem:v58+s20+$0x0], $0xffff;
	[tilespmem:s16+$0xA0] =	vst v2  }
0x7d: {  	p1 =	sne.s32 s3, $0x1F;
	[tilespmem:s16+$0xC0] =	vst v0  }
.Ltmp1:
0x7e: {  	[tilespmem:s16+$0xE0] =	vst v1;
	(pc) =	sbr.rel @p1 .LBB2_6-.Ltmp1, $4  }
0x7f: {  	[tilespmem:s16+$0x90] =	vst v7  }
0x80: {  	[tilespmem:s16+$0xB0] =	vst v62  }
0x81: {  	s1 =	sadd.s32 s4, s9;
	[tilespmem:s16+$0xF0] =	vst v3  }
0x82: {  	[hbm4b:s1+s18] =	stream.strided.scatter [tilespmem:s25], [sflag:$0x5], $0x4000, s19, s18, $0x38;
	[tilespmem:$0x19000] =	vst v63  }
.Ltmp2:
0x83: {  	(pc) =	sbr.rel .LBB2_7-.Ltmp2, $4  }
0x84: {  	_ = 	snop  }
0x85: {  	_ =	swait.ge [sflag:s26], $0x4000  }
0x86: {  	[sflag:s26] =	ssyncset.done $0x0  }
0x87: {  	[sflag:s26] =	ssyncadd.s32 $0xFFFFC000  }
.LBB2_6:
.Ltmp3:
0x88: {  	s1 =	sadd.s32 s8, s11;
	(pc) =	sbr.rel @p0 .LBB2_8-.Ltmp3, $4  }
0x89: {  	[tilespmem:s20], [sflag:$0x1] =	stream.strided.gather [hbm4b:s1+s18], $0x4000, s19, s18, $0x38;
	[tilespmem:$0x19000] =	vst v63  }
0x8a: {  	_ =	swait.ge [sflag:s26], $0x4000  }
0x8b: {  	[sflag:s26] =	ssyncset.done $0x0  }
0x8c: {  	[sflag:s26] =	ssyncadd.s32 $0xFFFFC000  }
.LBB2_7:
0x8d: {  	_ =	swait.ge [sflag:s28], $0x4000  }
0x8e: {  	[sflag:s28] =	ssyncset.done $0x0  }
0x8f: {  	[sflag:s28] =	ssyncadd.s32 $0xFFFFC000  }
.LBB2_8:
0x90: {  	s1 =	simm.s32 $0x40  }
0x91: {  	v0 =	vld [tilespmem:s1+$0xFFFFFFC0]  }
0x92: {  	v1 =	vld [tilespmem:s1+$0x10]  }
0x93: {  	v3 =	vld [tilespmem:s1+$0xFFFFFFE0]  }
0x94: {  	v2 =	vld [tilespmem:s1+$0x0];
	_ =	sdelay $0x1  }
0x95: {  	v6 =	vld [tilespmem:s1+$0x20]  }
0x96: {  	v7 =	vld [tilespmem:s1+$0xFFFFFFF0];
	v4 =	vshll.u32 v0, $0x2;
	v0 =	vand.u32 $0x7F, v0;
	v5 =	vshll.u32 v1, $0x2  }
0x97: {  	v1 =	vand.u32 $0x7F, v1;
	v9 =	vshll.u32 v3, $0x2;
	v4 =	vand.u32 $0xFFFFFE00, v4  }
0x98: {  	v8 =	vld [tilespmem:s1+$0xFFFFFFD0];
	v3 =	vand.u32 $0x7F, v3;
	v4 =	vor.u32 v0, v4;
	v0 =	vshll.u32 v2, $0x2  }
0x99: {  	v5 =	vand.u32 $0xFFFFFE00, v5;
	v2 =	vand.u32 $0x7F, v2;
	v0 =	vand.u32 $0xFFFFFE00, v0  }
0x9a: {  	v5 =	vor.u32 v1, v5;
	v0 =	vor.u32 v2, v0;
	v2 =	vand.u32 $0xFFFFFE00, v9;
	v9 =	vld [tilespmem:s1+$0x30]  }
0x9b: {  	v11 =	vand.u32 $0x7F, v7;
	v2 =	vor.u32 v3, v2;
	v3 =	vshll.u32 v6, $0x2  }
0x9c: {  	v1 =	vand.u32 $0x7F, v6;
	v12 =	vor.u32 $0x80, v4;
	v3 =	vand.u32 $0xFFFFFE00, v3  }
0x9d: {  	v6 =	vshll.u32 v7, $0x2;
	v10 =	vld.idx.msk [tilespmem:v4+s21+$0x0], $0xffff;
	v1 =	vor.u32 v1, v3;
	v3 =	vshll.u32 v8, $0x2  }
0x9e: {  	v6 =	vand.u32 $0xFFFFFE00, v6;
	v8 =	vand.u32 $0x7F, v8;
	v3 =	vand.u32 $0xFFFFFE00, v3  }
0x9f: {  	v6 =	vor.u32 v11, v6;
	v17 =	vld.idx.msk [tilespmem:v5+s21+$0x0], $0xffff;
	v7 =	vor.u32 v8, v3;
	v3 =	vshll.u32 v9, $0x2  }
0xa0: {  	v13 =	vld.idx.msk [tilespmem:v0+s21+$0x0], $0xffff;
	v8 =	vand.u32 $0x7F, v9;
	v3 =	vand.u32 $0xFFFFFE00, v3  }
0xa1: {  	s16 =	simm.s32 $0x15100;
	v11 =	vld.idx.msk [tilespmem:v2+s21+$0x0], $0xffff;
	v3 =	vor.u32 v8, v3  }
0xa2: {  	v20 =	vor.u32 $0x80, v0;
	[tilespmem:s16+$0xFFFFFF00] =	vst v10;
	v10 =	vld.idx.msk [tilespmem:v1+s21+$0x0], $0xffff  }
0xa3: {  	v18 =	vld.idx.msk [tilespmem:v12+s21+$0x0], $0xffff;
	v12 =	vor.u32 $0x80, v5  }
0xa4: {  	v15 =	vor.u32 $0x80, v2;
	v16 =	vld.idx.msk [tilespmem:v6+s21+$0x0], $0xffff  }
0xa5: {  	s7 =	simm.s32 $0x0;
	s17 =	simm.s32 $0xC0;
	s1 =	simm.s32 $0x15100;
	v9 =	vor.u32 $0x80, v1;
	v14 =	vor.u32 $0x80, v7;
	v8 =	vor.u32 $0x80, v3;
	v19 =	vld.idx.msk [tilespmem:v7+s21+$0x0], $0xffff  }
.LBB2_9:
0xa6: {  	s7 =	sadd.s32 $0x8, s7;
	[tilespmem:s16+$0xFFFFFF40] =	vst v13;
	v13 =	vld.idx.msk [tilespmem:v3+s21+$0x0], $0xffff;
	s1 =	sadd.s32 $0x200, s1  }
0xa7: {  	p0 =	slt.u32 s7, $0xF8;
	v20 =	vld.idx.msk [tilespmem:v20+s21+$0x0], $0xffff;
	[tilespmem:s16+$0xFFFFFF50] =	vst v17  }
0xa8: {  	v17 =	vor.u32 $0x100, v4;
	v12 =	vld.idx.msk [tilespmem:v12+s21+$0x0], $0xffff  }
0xa9: {  	v21 =	vld [tilespmem:s17+$0x10];
	[tilespmem:s16+$0xFFFFFF80] =	vst v18  }
0xaa: {  	v18 =	vld [tilespmem:s17+$0xFFFFFFE0];
	[tilespmem:s16+$0xFFFFFF10] =	vst v19;
	v19 =	vor.u32 $0x80, v6  }
0xab: {  	v14 =	vld.idx.msk [tilespmem:v14+s21+$0x0], $0xffff;
	[tilespmem:s16+$0xFFFFFF20] =	vst v11  }
0xac: {  	v11 =	vld.idx.msk [tilespmem:v15+s21+$0x0], $0xffff;
	[tilespmem:s16+$0xFFFFFF70] =	vst v13  }
0xad: {  	v13 =	vld.idx.msk [tilespmem:v17+s21+$0x0], $0xffff;
	[tilespmem:s16+$0xFFFFFFC0] =	vst v20  }
0xae: {  	v15 =	vld [tilespmem:s17+$0xFFFFFFF0];
	[tilespmem:s16+$0xFFFFFF30] =	vst v16  }
0xaf: {  	v16 =	vld.idx.msk [tilespmem:v19+s21+$0x0], $0xffff;
	[tilespmem:s16+$0xFFFFFFD0] =	vst v12  }
0xb0: {  	v12 =	vld [tilespmem:s17+$0xFFFFFFC0];
	[tilespmem:s16+$0xFFFFFF60] =	vst v10  }
0xb1: {  	[tilespmem:s16+$0xFFFFFF90] =	vst v14;
	v8 =	vld.idx.msk [tilespmem:v8+s21+$0x0], $0xffff  }
0xb2: {  	v10 =	vld [tilespmem:s17+$0x20];
	[tilespmem:s16+$0xFFFFFFA0] =	vst v11;
	v11 =	vor.u32 $0x100, v5  }
0xb3: {  	v14 =	vld [tilespmem:s17+$0x30];
	[tilespmem:s16+$0x0] =	vst v13;
	v13 =	vor.u32 $0x100, v7  }
0xb4: {  	v19 =	vor.u32 $0x100, v6;
	v17 =	vld [tilespmem:s17+$0xFFFFFFD0]  }
0xb5: {  	v20 =	vor.u32 $0x180, v4;
	[tilespmem:s16+$0xFFFFFFB0] =	vst v16;
	v9 =	vld.idx.msk [tilespmem:v9+s21+$0x0], $0xffff  }
0xb6: {  	v22 =	vor.u32 $0x100, v2;
	v23 =	vor.u32 $0x180, v5;
	v5 =	vor.u32 $0x100, v1;
	v16 =	vld [tilespmem:s17+$0x0]  }
0xb7: {  	v24 =	vor.u32 $0x100, v0;
	v4 =	vshll.u32 v12, $0x2;
	v11 =	vld.idx.msk [tilespmem:v11+s21+$0x0], $0xffff;
	[tilespmem:s16+$0xFFFFFFF0] =	vst v8;
	v8 =	vor.u32 $0x100, v3  }
0xb8: {  	v4 =	vand.u32 $0xFFFFFE00, v4;
	v25 =	vand.u32 $0x7F, v14;
	v14 =	vshll.u32 v14, $0x2;
	v13 =	vld.idx.msk [tilespmem:v13+s21+$0x0], $0xffff  }
0xb9: {  	v6 =	vor.u32 $0x180, v6;
	v12 =	vand.u32 $0x7F, v12;
	v14 =	vand.u32 $0xFFFFFE00, v14;
	v19 =	vld.idx.msk [tilespmem:v19+s21+$0x0], $0xffff  }
0xba: {  	v7 =	vor.u32 $0x180, v7;
	v4 =	vor.u32 v12, v4;
	v12 =	vshll.u32 v21, $0x2;
	v20 =	vld.idx.msk [tilespmem:v20+s21+$0x0], $0xffff  }
0xbb: {  	v26 =	vshll.u32 v15, $0x2;
	v14 =	vor.u32 v25, v14;
	v27 =	vshll.u32 v16, $0x2;
	v22 =	vld.idx.msk [tilespmem:v22+s21+$0x0], $0xffff;
	[tilespmem:s16+$0xFFFFFFE0] =	vst v9  }
0xbc: {  	v21 =	vand.u32 $0x7F, v21;
	v9 =	vand.u32 $0xFFFFFE00, v26;
	v16 =	vand.u32 $0x7F, v16;
	v25 =	vld.idx.msk [tilespmem:v5+s21+$0x0], $0xffff  }
0xbd: {  	v12 =	vand.u32 $0xFFFFFE00, v12;
	v26 =	vor.u32 $0x180, v2;
	v5 =	vand.u32 $0xFFFFFE00, v27;
	[tilespmem:s16+$0x50] =	vst v11;
	v8 =	vld.idx.msk [tilespmem:v8+s21+$0x0], $0xffff  }
0xbe: {  	v2 =	vshll.u32 v18, $0x2;
	v11 =	vor.u32 v16, v5;
	v5 =	vor.u32 v21, v12;
	[tilespmem:s16+$0x10] =	vst v13;
	v12 =	vld.idx.msk [tilespmem:v24+s21+$0x0], $0xffff  }
0xbf: {  	v2 =	vand.u32 $0xFFFFFE00, v2;
	v13 =	vor.u32 $0x180, v3;
	v3 =	vmov v14;
	v7 =	vld.idx.msk [tilespmem:v7+s21+$0x0], $0xffff;
	[tilespmem:s16+$0x30] =	vst v19  }
0xc0: {  	v14 =	vand.u32 $0x7F, v18;
	v18 =	vor.u32 $0x180, v0;
	v0 =	vmovc v11;
	v19 =	vor.u32 $0x180, v1;
	[tilespmem:s16+$0x80] =	vst v20;
	v16 =	vld.idx.msk [tilespmem:v6+s21+$0x0], $0xffff  }
0xc1: {  	v21 =	vor.u32 $0x80, v4;
	v2 =	vor.u32 v14, v2;
	v1 =	vand.u32 $0x7F, v15;
	[tilespmem:s16+$0x20] =	vst v22;
	v11 =	vld.idx.msk [tilespmem:v23+s21+$0x0], $0xffff  }
0xc2: {  	v6 =	vor.u32 v1, v9;
	v1 =	vshll.u32 v10, $0x2;
	v9 =	vld.idx.msk [tilespmem:v26+s21+$0x0], $0xffff;
	[tilespmem:s16+$0x60] =	vst v25  }
0xc3: {  	v10 =	vand.u32 $0x7F, v10;
	v1 =	vand.u32 $0xFFFFFE00, v1;
	v15 =	vld.idx.msk [tilespmem:v4+s21+$0x0], $0xffff;
	[tilespmem:s16+$0x70] =	vst v8  }
0xc4: {  	v1 =	vor.u32 v10, v1;
	[tilespmem:s16+$0x40] =	vst v12;
	v22 =	vld.idx.msk [tilespmem:v13+s21+$0x0], $0xffff  }
0xc5: {  	v8 =	vshll.u32 v17, $0x2;
	v12 =	vor.u32 $0x80, v5;
	v13 =	vld.idx.msk [tilespmem:v0+s21+$0x0], $0xffff;
	[tilespmem:s16+$0x90] =	vst v7  }
0xc6: {  	v10 =	vand.u32 $0xFFFFFE00, v8;
	v8 =	vor.u32 $0x80, v3;
	v7 =	vand.u32 $0x7F, v17;
	[tilespmem:s16+$0xB0] =	vst v16;
	v16 =	vld.idx.msk [tilespmem:v18+s21+$0x0], $0xffff  }
0xc7: {  	v7 =	vor.u32 v7, v10;
	[tilespmem:s16+$0xD0] =	vst v11;
	v23 =	vld.idx.msk [tilespmem:v19+s21+$0x0], $0xffff  }
0xc8: {  	v14 =	vor.u32 $0x80, v7;
	v11 =	vld.idx.msk [tilespmem:v2+s21+$0x0], $0xffff  }
.Ltmp4:
0xc9: {  	[tilespmem:s1+$0xFFFFFF00] =	vst v15;
	v15 =	vor.u32 $0x80, v2;
	v17 =	vld.idx.msk [tilespmem:v5+s21+$0x0], $0xffff;
	(pc) =	sbr.rel @p0 .LBB2_9-.Ltmp4, $4  }
0xca: {  	v20 =	vor.u32 $0x80, v0;
	v10 =	vld.idx.msk [tilespmem:v1+s21+$0x0], $0xffff;
	[tilespmem:s16+$0xF0] =	vst v22  }
0xcb: {  	v18 =	vld.idx.msk [tilespmem:v21+s21+$0x0], $0xffff;
	[tilespmem:s16+$0xA0] =	vst v9  }
0xcc: {  	v19 =	vld.idx.msk [tilespmem:v7+s21+$0x0], $0xffff;
	[tilespmem:s16+$0xC0] =	vst v16  }
0xcd: {  	s17 =	sadd.s32 $0x80, s17;
	v9 =	vor.u32 $0x80, v1;
	v16 =	vld.idx.msk [tilespmem:v6+s21+$0x0], $0xffff;
	[tilespmem:s16+$0xE0] =	vst v23;
	s16 =	smov.u32 s1  }
0xce: {  	_ =	sdelay $0x2  }
0xcf: {  	[tilespmem:s16+$0xFFFFFF40] =	vst v13  }
0xd0: {  	v13 =	vld.idx.msk [tilespmem:v3+s21+$0x0], $0xffff;
	[tilespmem:s16+$0xFFFFFF50] =	vst v17  }
0xd1: {  	[tilespmem:s16+$0xFFFFFF20] =	vst v11;
	v17 =	vld.idx.msk [tilespmem:v20+s21+$0x0], $0xffff;
	v20 =	vor.u32 $0x100, v4  }
0xd2: {  	[tilespmem:s16+$0xFFFFFF80] =	vst v18  }
0xd3: {  	v12 =	vld.idx.msk [tilespmem:v12+s21+$0x0], $0xffff;
	v18 =	vor.u32 $0x80, v6;
	[tilespmem:s16+$0xFFFFFF10] =	vst v19  }
0xd4: {  	[tilespmem:s16+$0xFFFFFF60] =	vst v10;
	v11 =	vld.idx.msk [tilespmem:v14+s21+$0x0], $0xffff  }
0xd5: {  	[tilespmem:s16+$0xFFFFFF70] =	vst v13;
	v13 =	vld.idx.msk [tilespmem:v15+s21+$0x0], $0xffff  }
0xd6: {  	v14 =	vor.u32 $0x100, v5;
	[tilespmem:s16+$0xFFFFFFC0] =	vst v17;
	v17 =	vld.idx.msk [tilespmem:v20+s21+$0x0], $0xffff  }
0xd7: {  	v10 =	vor.u32 $0x100, v2;
	[tilespmem:s16+$0xFFFFFF30] =	vst v16;
	v8 =	vld.idx.msk [tilespmem:v8+s21+$0x0], $0xffff  }
0xd8: {  	v16 =	vor.u32 $0x100, v7;
	[tilespmem:s16+$0xFFFFFFD0] =	vst v12;
	v15 =	vld.idx.msk [tilespmem:v18+s21+$0x0], $0xffff  }
0xd9: {  	v4 =	vor.u32 $0x180, v4;
	[tilespmem:s16+$0xFFFFFF90] =	vst v11  }
0xda: {  	v9 =	vld.idx.msk [tilespmem:v9+s21+$0x0], $0xffff;
	v12 =	vor.u32 $0x100, v6;
	[tilespmem:s16+$0xFFFFFFA0] =	vst v13  }
0xdb: {  	v11 =	vld.idx.msk [tilespmem:v14+s21+$0x0], $0xffff;
	v14 =	vor.u32 $0x100, v1;
	[tilespmem:s16+$0x0] =	vst v17  }
0xdc: {  	v13 =	vor.u32 $0x100, v3;
	[tilespmem:s16+$0xFFFFFFF0] =	vst v8;
	v8 =	vld.idx.msk [tilespmem:v10+s21+$0x0], $0xffff  }
0xdd: {  	v5 =	vor.u32 $0x180, v5;
	[tilespmem:s16+$0xFFFFFFB0] =	vst v15;
	v15 =	vld.idx.msk [tilespmem:v16+s21+$0x0], $0xffff  }
0xde: {  	v16 =	vor.u32 $0x100, v0;
	v4 =	vld.idx.msk [tilespmem:v4+s21+$0x0], $0xffff  }
0xdf: {  	v2 =	vor.u32 $0x180, v2;
	[tilespmem:s16+$0xFFFFFFE0] =	vst v9;
	v12 =	vld.idx.msk [tilespmem:v12+s21+$0x0], $0xffff  }
0xe0: {  	v7 =	vor.u32 $0x180, v7;
	[tilespmem:s16+$0x50] =	vst v11;
	v10 =	vld.idx.msk [tilespmem:v14+s21+$0x0], $0xffff  }
0xe1: {  	v6 =	vor.u32 $0x180, v6;
	v9 =	vld.idx.msk [tilespmem:v13+s21+$0x0], $0xffff;
	[tilespmem:s16+$0x20] =	vst v8  }
0xe2: {  	v1 =	vor.u32 $0x180, v1;
	v5 =	vld.idx.msk [tilespmem:v5+s21+$0x0], $0xffff;
	[tilespmem:s16+$0x10] =	vst v15  }
0xe3: {  	v3 =	vor.u32 $0x180, v3;
	v11 =	vld.idx.msk [tilespmem:v16+s21+$0x0], $0xffff;
	[tilespmem:s16+$0x80] =	vst v4  }
0xe4: {  	v0 =	vor.u32 $0x180, v0;
	v2 =	vld.idx.msk [tilespmem:v2+s21+$0x0], $0xffff;
	[tilespmem:s16+$0x30] =	vst v12  }
0xe5: {  	v7 =	vld.idx.msk [tilespmem:v7+s21+$0x0], $0xffff;
	[tilespmem:s16+$0x60] =	vst v10  }
0xe6: {  	v4 =	vld.idx.msk [tilespmem:v6+s21+$0x0], $0xffff;
	[tilespmem:s16+$0x70] =	vst v9  }
0xe7: {  	v1 =	vld.idx.msk [tilespmem:v1+s21+$0x0], $0xffff;
	[tilespmem:s16+$0xD0] =	vst v5  }
0xe8: {  	v3 =	vld.idx.msk [tilespmem:v3+s21+$0x0], $0xffff;
	[tilespmem:s16+$0x40] =	vst v11  }
0xe9: {  	[tilespmem:s16+$0xA0] =	vst v2;
	v0 =	vld.idx.msk [tilespmem:v0+s21+$0x0], $0xffff  }
0xea: {  	[tilespmem:s16+$0x90] =	vst v7  }
0xeb: {  	[tilespmem:s16+$0xB0] =	vst v4  }
0xec: {  	[tilespmem:s16+$0xE0] =	vst v1  }
0xed: {  	p0 =	seq.s32 s3, $0x1F;
	[tilespmem:s16+$0xF0] =	vst v3  }
0xee: {  	s1 =	sadd.s32 s9, s12;
	s7 =	simm.s32 @!p0 $0x200;
	[tilespmem:s16+$0xC0] =	vst v0  }
0xef: {  	[hbm4b:s1+s18] =	stream.strided.scatter [tilespmem:s29], [sflag:$0x6], $0x4000, s19, s18, $0x38;
	[tilespmem:$0x19000] =	vst v63  }
0xf0: {  	s17 =	simm.s32 @!p0 $0x5000;
	s16 =	simm.s32 @!p0 $0x400;
	s1 =	sadd.s32 @!p0 s8, s13  }
0xf1: {  	[tilespmem:s17], [sflag:$0x2] =	stream.strided.gather @!p0 [hbm4b:s1+s7], $0x4000, s16, s7, $0x38;
	[tilespmem:$0x19000] =	vst v63  }
0xf2: {  	_ =	swait.ge [sflag:s30], $0x4000  }
0xf3: {  	[sflag:s30] =	ssyncset.done $0x0  }
0xf4: {  	[sflag:s30] =	ssyncadd.s32 $0xFFFFC000  }
0xf5: {  	_ =	swait.ge [sflag:s31], $0x4000  }
0xf6: {  	[sflag:s31] =	ssyncset.done $0x0  }
0xf7: {  	s17 =	simm.s32 $0x40;
	[sflag:s31] =	ssyncadd.s32 $0xFFFFC000  }
0xf8: {  	v0 =	vld [tilespmem:s17+$0xFFFFFFC0]  }
0xf9: {  	v1 =	vld [tilespmem:s17+$0x10]  }
0xfa: {  	v3 =	vld [tilespmem:s17+$0xFFFFFFE0]  }
0xfb: {  	v2 =	vld [tilespmem:s17+$0x0];
	_ =	sdelay $0x1  }
0xfc: {  	v6 =	vld [tilespmem:s17+$0x20]  }
0xfd: {  	v7 =	vld [tilespmem:s17+$0xFFFFFFF0];
	v4 =	vshll.u32 v0, $0x2;
	v0 =	vand.u32 $0x7F, v0;
	v5 =	vshll.u32 v1, $0x2  }
0xfe: {  	v1 =	vand.u32 $0x7F, v1;
	v9 =	vshll.u32 v3, $0x2;
	v4 =	vand.u32 $0xFFFFFE00, v4  }
0xff: {  	v8 =	vld [tilespmem:s17+$0xFFFFFFD0];
	v3 =	vand.u32 $0x7F, v3;
	v4 =	vor.u32 v0, v4;
	v0 =	vshll.u32 v2, $0x2  }
0x100: {  	v5 =	vand.u32 $0xFFFFFE00, v5;
	v2 =	vand.u32 $0x7F, v2;
	v0 =	vand.u32 $0xFFFFFE00, v0  }
0x101: {  	v5 =	vor.u32 v1, v5;
	v0 =	vor.u32 v2, v0;
	v2 =	vand.u32 $0xFFFFFE00, v9;
	v9 =	vld [tilespmem:s17+$0x30]  }
0x102: {  	v11 =	vand.u32 $0x7F, v7;
	v2 =	vor.u32 v3, v2;
	v3 =	vshll.u32 v6, $0x2  }
0x103: {  	v1 =	vand.u32 $0x7F, v6;
	v12 =	vor.u32 $0x80, v4;
	v3 =	vand.u32 $0xFFFFFE00, v3  }
0x104: {  	v6 =	vshll.u32 v7, $0x2;
	v10 =	vld.idx.msk [tilespmem:v4+s22+$0x0], $0xffff;
	v1 =	vor.u32 v1, v3;
	v3 =	vshll.u32 v8, $0x2  }
0x105: {  	v6 =	vand.u32 $0xFFFFFE00, v6;
	v8 =	vand.u32 $0x7F, v8;
	v3 =	vand.u32 $0xFFFFFE00, v3  }
0x106: {  	v6 =	vor.u32 v11, v6;
	v17 =	vld.idx.msk [tilespmem:v5+s22+$0x0], $0xffff;
	v7 =	vor.u32 v8, v3;
	v3 =	vshll.u32 v9, $0x2  }
0x107: {  	v13 =	vld.idx.msk [tilespmem:v0+s22+$0x0], $0xffff;
	v8 =	vand.u32 $0x7F, v9;
	v3 =	vand.u32 $0xFFFFFE00, v3  }
0x108: {  	s16 =	simm.s32 $0x11100;
	v11 =	vld.idx.msk [tilespmem:v2+s22+$0x0], $0xffff;
	v3 =	vor.u32 v8, v3  }
0x109: {  	v20 =	vor.u32 $0x80, v0;
	[tilespmem:s16+$0xFFFFFF00] =	vst v10;
	v10 =	vld.idx.msk [tilespmem:v1+s22+$0x0], $0xffff  }
0x10a: {  	v18 =	vld.idx.msk [tilespmem:v12+s22+$0x0], $0xffff;
	v12 =	vor.u32 $0x80, v5  }
0x10b: {  	v15 =	vor.u32 $0x80, v2;
	v16 =	vld.idx.msk [tilespmem:v6+s22+$0x0], $0xffff  }
0x10c: {  	s7 =	simm.s32 $0x0;
	s1 =	simm.s32 $0x11100;
	s17 =	simm.s32 $0xC0;
	v9 =	vor.u32 $0x80, v1;
	v14 =	vor.u32 $0x80, v7;
	v8 =	vor.u32 $0x80, v3;
	v19 =	vld.idx.msk [tilespmem:v7+s22+$0x0], $0xffff  }
.LBB2_11:
0x10d: {  	s7 =	sadd.s32 $0x8, s7;
	[tilespmem:s16+$0xFFFFFF40] =	vst v13;
	v13 =	vld.idx.msk [tilespmem:v3+s22+$0x0], $0xffff;
	s1 =	sadd.s32 $0x200, s1  }
0x10e: {  	p1 =	slt.u32 s7, $0xF8;
	v20 =	vld.idx.msk [tilespmem:v20+s22+$0x0], $0xffff;
	[tilespmem:s16+$0xFFFFFF50] =	vst v17  }
0x10f: {  	v17 =	vor.u32 $0x100, v4;
	v12 =	vld.idx.msk [tilespmem:v12+s22+$0x0], $0xffff  }
0x110: {  	v21 =	vld [tilespmem:s17+$0x10];
	[tilespmem:s16+$0xFFFFFF80] =	vst v18  }
0x111: {  	v18 =	vld [tilespmem:s17+$0xFFFFFFE0];
	[tilespmem:s16+$0xFFFFFF10] =	vst v19;
	v19 =	vor.u32 $0x80, v6  }
0x112: {  	v14 =	vld.idx.msk [tilespmem:v14+s22+$0x0], $0xffff;
	[tilespmem:s16+$0xFFFFFF20] =	vst v11  }
0x113: {  	v11 =	vld.idx.msk [tilespmem:v15+s22+$0x0], $0xffff;
	[tilespmem:s16+$0xFFFFFF70] =	vst v13  }
0x114: {  	v13 =	vld.idx.msk [tilespmem:v17+s22+$0x0], $0xffff;
	[tilespmem:s16+$0xFFFFFFC0] =	vst v20  }
0x115: {  	v15 =	vld [tilespmem:s17+$0xFFFFFFF0];
	[tilespmem:s16+$0xFFFFFF30] =	vst v16  }
0x116: {  	v16 =	vld.idx.msk [tilespmem:v19+s22+$0x0], $0xffff;
	[tilespmem:s16+$0xFFFFFFD0] =	vst v12  }
0x117: {  	v12 =	vld [tilespmem:s17+$0xFFFFFFC0];
	[tilespmem:s16+$0xFFFFFF60] =	vst v10  }
0x118: {  	[tilespmem:s16+$0xFFFFFF90] =	vst v14;
	v8 =	vld.idx.msk [tilespmem:v8+s22+$0x0], $0xffff  }
0x119: {  	v10 =	vld [tilespmem:s17+$0x20];
	[tilespmem:s16+$0xFFFFFFA0] =	vst v11;
	v11 =	vor.u32 $0x100, v5  }
0x11a: {  	v14 =	vld [tilespmem:s17+$0x30];
	[tilespmem:s16+$0x0] =	vst v13;
	v13 =	vor.u32 $0x100, v7  }
0x11b: {  	v19 =	vor.u32 $0x100, v6;
	v17 =	vld [tilespmem:s17+$0xFFFFFFD0]  }
0x11c: {  	v20 =	vor.u32 $0x180, v4;
	[tilespmem:s16+$0xFFFFFFB0] =	vst v16;
	v9 =	vld.idx.msk [tilespmem:v9+s22+$0x0], $0xffff  }
0x11d: {  	v22 =	vor.u32 $0x100, v2;
	v23 =	vor.u32 $0x180, v5;
	v5 =	vor.u32 $0x100, v1;
	v16 =	vld [tilespmem:s17+$0x0]  }
0x11e: {  	v24 =	vor.u32 $0x100, v0;
	v4 =	vshll.u32 v12, $0x2;
	v11 =	vld.idx.msk [tilespmem:v11+s22+$0x0], $0xffff;
	[tilespmem:s16+$0xFFFFFFF0] =	vst v8;
	v8 =	vor.u32 $0x100, v3  }
0x11f: {  	v4 =	vand.u32 $0xFFFFFE00, v4;
	v25 =	vand.u32 $0x7F, v14;
	v14 =	vshll.u32 v14, $0x2;
	v13 =	vld.idx.msk [tilespmem:v13+s22+$0x0], $0xffff  }
0x120: {  	v6 =	vor.u32 $0x180, v6;
	v12 =	vand.u32 $0x7F, v12;
	v14 =	vand.u32 $0xFFFFFE00, v14;
	v19 =	vld.idx.msk [tilespmem:v19+s22+$0x0], $0xffff  }
0x121: {  	v7 =	vor.u32 $0x180, v7;
	v4 =	vor.u32 v12, v4;
	v12 =	vshll.u32 v21, $0x2;
	v20 =	vld.idx.msk [tilespmem:v20+s22+$0x0], $0xffff  }
0x122: {  	v26 =	vshll.u32 v15, $0x2;
	v14 =	vor.u32 v25, v14;
	v27 =	vshll.u32 v16, $0x2;
	v22 =	vld.idx.msk [tilespmem:v22+s22+$0x0], $0xffff;
	[tilespmem:s16+$0xFFFFFFE0] =	vst v9  }
0x123: {  	v21 =	vand.u32 $0x7F, v21;
	v9 =	vand.u32 $0xFFFFFE00, v26;
	v16 =	vand.u32 $0x7F, v16;
	v25 =	vld.idx.msk [tilespmem:v5+s22+$0x0], $0xffff  }
0x124: {  	v12 =	vand.u32 $0xFFFFFE00, v12;
	v26 =	vor.u32 $0x180, v2;
	v5 =	vand.u32 $0xFFFFFE00, v27;
	[tilespmem:s16+$0x50] =	vst v11;
	v8 =	vld.idx.msk [tilespmem:v8+s22+$0x0], $0xffff  }
0x125: {  	v2 =	vshll.u32 v18, $0x2;
	v11 =	vor.u32 v16, v5;
	v5 =	vor.u32 v21, v12;
	[tilespmem:s16+$0x10] =	vst v13;
	v12 =	vld.idx.msk [tilespmem:v24+s22+$0x0], $0xffff  }
0x126: {  	v2 =	vand.u32 $0xFFFFFE00, v2;
	v13 =	vor.u32 $0x180, v3;
	v3 =	vmov v14;
	v7 =	vld.idx.msk [tilespmem:v7+s22+$0x0], $0xffff;
	[tilespmem:s16+$0x30] =	vst v19  }
0x127: {  	v14 =	vand.u32 $0x7F, v18;
	v18 =	vor.u32 $0x180, v0;
	v0 =	vmovc v11;
	v19 =	vor.u32 $0x180, v1;
	[tilespmem:s16+$0x80] =	vst v20;
	v16 =	vld.idx.msk [tilespmem:v6+s22+$0x0], $0xffff  }
0x128: {  	v21 =	vor.u32 $0x80, v4;
	v2 =	vor.u32 v14, v2;
	v1 =	vand.u32 $0x7F, v15;
	[tilespmem:s16+$0x20] =	vst v22;
	v11 =	vld.idx.msk [tilespmem:v23+s22+$0x0], $0xffff  }
0x129: {  	v6 =	vor.u32 v1, v9;
	v1 =	vshll.u32 v10, $0x2;
	v9 =	vld.idx.msk [tilespmem:v26+s22+$0x0], $0xffff;
	[tilespmem:s16+$0x60] =	vst v25  }
0x12a: {  	v10 =	vand.u32 $0x7F, v10;
	v1 =	vand.u32 $0xFFFFFE00, v1;
	v15 =	vld.idx.msk [tilespmem:v4+s22+$0x0], $0xffff;
	[tilespmem:s16+$0x70] =	vst v8  }
0x12b: {  	v1 =	vor.u32 v10, v1;
	[tilespmem:s16+$0x40] =	vst v12;
	v22 =	vld.idx.msk [tilespmem:v13+s22+$0x0], $0xffff  }
0x12c: {  	v8 =	vshll.u32 v17, $0x2;
	v12 =	vor.u32 $0x80, v5;
	v13 =	vld.idx.msk [tilespmem:v0+s22+$0x0], $0xffff;
	[tilespmem:s16+$0x90] =	vst v7  }
0x12d: {  	v10 =	vand.u32 $0xFFFFFE00, v8;
	v8 =	vor.u32 $0x80, v3;
	v7 =	vand.u32 $0x7F, v17;
	[tilespmem:s16+$0xB0] =	vst v16;
	v16 =	vld.idx.msk [tilespmem:v18+s22+$0x0], $0xffff  }
0x12e: {  	v7 =	vor.u32 v7, v10;
	[tilespmem:s16+$0xD0] =	vst v11;
	v23 =	vld.idx.msk [tilespmem:v19+s22+$0x0], $0xffff  }
0x12f: {  	v14 =	vor.u32 $0x80, v7;
	v11 =	vld.idx.msk [tilespmem:v2+s22+$0x0], $0xffff  }
.Ltmp5:
0x130: {  	[tilespmem:s1+$0xFFFFFF00] =	vst v15;
	v15 =	vor.u32 $0x80, v2;
	v17 =	vld.idx.msk [tilespmem:v5+s22+$0x0], $0xffff;
	(pc) =	sbr.rel @p1 .LBB2_11-.Ltmp5, $4  }
0x131: {  	v20 =	vor.u32 $0x80, v0;
	v10 =	vld.idx.msk [tilespmem:v1+s22+$0x0], $0xffff;
	[tilespmem:s16+$0xF0] =	vst v22  }
0x132: {  	v18 =	vld.idx.msk [tilespmem:v21+s22+$0x0], $0xffff;
	[tilespmem:s16+$0xA0] =	vst v9  }
0x133: {  	v19 =	vld.idx.msk [tilespmem:v7+s22+$0x0], $0xffff;
	[tilespmem:s16+$0xC0] =	vst v16  }
0x134: {  	s17 =	sadd.s32 $0x80, s17;
	v9 =	vor.u32 $0x80, v1;
	v16 =	vld.idx.msk [tilespmem:v6+s22+$0x0], $0xffff;
	[tilespmem:s16+$0xE0] =	vst v23;
	s16 =	smov.u32 s1  }
0x135: {  	_ =	sdelay $0x2  }
0x136: {  	[tilespmem:s16+$0xFFFFFF40] =	vst v13  }
0x137: {  	v13 =	vld.idx.msk [tilespmem:v3+s22+$0x0], $0xffff;
	[tilespmem:s16+$0xFFFFFF50] =	vst v17  }
0x138: {  	[tilespmem:s16+$0xFFFFFF20] =	vst v11;
	v17 =	vld.idx.msk [tilespmem:v20+s22+$0x0], $0xffff;
	v20 =	vor.u32 $0x100, v4  }
0x139: {  	[tilespmem:s16+$0xFFFFFF80] =	vst v18  }
0x13a: {  	v12 =	vld.idx.msk [tilespmem:v12+s22+$0x0], $0xffff;
	v18 =	vor.u32 $0x80, v6;
	[tilespmem:s16+$0xFFFFFF10] =	vst v19  }
0x13b: {  	[tilespmem:s16+$0xFFFFFF60] =	vst v10;
	v11 =	vld.idx.msk [tilespmem:v14+s22+$0x0], $0xffff  }
0x13c: {  	[tilespmem:s16+$0xFFFFFF70] =	vst v13;
	v13 =	vld.idx.msk [tilespmem:v15+s22+$0x0], $0xffff  }
0x13d: {  	v14 =	vor.u32 $0x100, v5;
	[tilespmem:s16+$0xFFFFFFC0] =	vst v17;
	v17 =	vld.idx.msk [tilespmem:v20+s22+$0x0], $0xffff  }
0x13e: {  	v10 =	vor.u32 $0x100, v2;
	[tilespmem:s16+$0xFFFFFF30] =	vst v16;
	v8 =	vld.idx.msk [tilespmem:v8+s22+$0x0], $0xffff  }
0x13f: {  	v16 =	vor.u32 $0x100, v7;
	[tilespmem:s16+$0xFFFFFFD0] =	vst v12;
	v15 =	vld.idx.msk [tilespmem:v18+s22+$0x0], $0xffff  }
0x140: {  	v4 =	vor.u32 $0x180, v4;
	[tilespmem:s16+$0xFFFFFF90] =	vst v11  }
0x141: {  	v9 =	vld.idx.msk [tilespmem:v9+s22+$0x0], $0xffff;
	v12 =	vor.u32 $0x100, v6;
	[tilespmem:s16+$0xFFFFFFA0] =	vst v13  }
0x142: {  	v11 =	vld.idx.msk [tilespmem:v14+s22+$0x0], $0xffff;
	v14 =	vor.u32 $0x100, v1;
	[tilespmem:s16+$0x0] =	vst v17  }
0x143: {  	v13 =	vor.u32 $0x100, v3;
	[tilespmem:s16+$0xFFFFFFF0] =	vst v8;
	v8 =	vld.idx.msk [tilespmem:v10+s22+$0x0], $0xffff  }
0x144: {  	v5 =	vor.u32 $0x180, v5;
	[tilespmem:s16+$0xFFFFFFB0] =	vst v15;
	v15 =	vld.idx.msk [tilespmem:v16+s22+$0x0], $0xffff  }
0x145: {  	v16 =	vor.u32 $0x100, v0;
	v4 =	vld.idx.msk [tilespmem:v4+s22+$0x0], $0xffff  }
0x146: {  	v2 =	vor.u32 $0x180, v2;
	[tilespmem:s16+$0xFFFFFFE0] =	vst v9;
	v12 =	vld.idx.msk [tilespmem:v12+s22+$0x0], $0xffff  }
0x147: {  	v7 =	vor.u32 $0x180, v7;
	[tilespmem:s16+$0x50] =	vst v11;
	v10 =	vld.idx.msk [tilespmem:v14+s22+$0x0], $0xffff  }
0x148: {  	v6 =	vor.u32 $0x180, v6;
	v9 =	vld.idx.msk [tilespmem:v13+s22+$0x0], $0xffff;
	[tilespmem:s16+$0x20] =	vst v8  }
0x149: {  	v1 =	vor.u32 $0x180, v1;
	v5 =	vld.idx.msk [tilespmem:v5+s22+$0x0], $0xffff;
	[tilespmem:s16+$0x10] =	vst v15  }
0x14a: {  	v3 =	vor.u32 $0x180, v3;
	v11 =	vld.idx.msk [tilespmem:v16+s22+$0x0], $0xffff;
	[tilespmem:s16+$0x80] =	vst v4  }
0x14b: {  	v0 =	vor.u32 $0x180, v0;
	v2 =	vld.idx.msk [tilespmem:v2+s22+$0x0], $0xffff;
	[tilespmem:s16+$0x30] =	vst v12  }
0x14c: {  	v7 =	vld.idx.msk [tilespmem:v7+s22+$0x0], $0xffff;
	[tilespmem:s16+$0x60] =	vst v10  }
0x14d: {  	v4 =	vld.idx.msk [tilespmem:v6+s22+$0x0], $0xffff;
	[tilespmem:s16+$0x70] =	vst v9  }
0x14e: {  	v1 =	vld.idx.msk [tilespmem:v1+s22+$0x0], $0xffff;
	[tilespmem:s16+$0xD0] =	vst v5  }
0x14f: {  	v3 =	vld.idx.msk [tilespmem:v3+s22+$0x0], $0xffff;
	[tilespmem:s16+$0x40] =	vst v11  }
0x150: {  	[tilespmem:s16+$0xA0] =	vst v2;
	v0 =	vld.idx.msk [tilespmem:v0+s22+$0x0], $0xffff  }
0x151: {  	[tilespmem:s16+$0x90] =	vst v7  }
0x152: {  	[tilespmem:s16+$0xB0] =	vst v4  }
0x153: {  	[tilespmem:s16+$0xE0] =	vst v1  }
0x154: {  	[tilespmem:s16+$0xF0] =	vst v3  }
0x155: {  	s1 =	sadd.s32 s9, s14;
	s7 =	simm.s32 @!p0 $0x200;
	[tilespmem:s16+$0xC0] =	vst v0  }
0x156: {  	[hbm4b:s1+s18] =	stream.strided.scatter [tilespmem:s25], [sflag:$0x5], $0x4000, s19, s18, $0x38;
	[tilespmem:$0x19000] =	vst v63  }
0x157: {  	s9 =	simm.s32 @!p0 $0x9000;
	s1 =	sadd.s32 @!p0 s8, s15;
	s8 =	simm.s32 @!p0 $0x400  }
0x158: {  	[tilespmem:s9], [sflag:$0x3] =	stream.strided.gather @!p0 [hbm4b:s1+s7], $0x4000, s8, s7, $0x38;
	[tilespmem:$0x19000] =	vst v63  }
0x159: {  	_ =	swait.ge [sflag:s0], $0x4000  }
0x15a: {  	[sflag:s0] =	ssyncset.done $0x0  }
0x15b: {  	[sflag:s0] =	ssyncadd.s32 $0xFFFFC000  }
0x15c: {  	_ =	swait.ge [sflag:s28], $0x4000  }
0x15d: {  	[sflag:s28] =	ssyncset.done $0x0  }
0x15e: {  	s17 =	simm.s32 $0x40;
	[sflag:s28] =	ssyncadd.s32 $0xFFFFC000  }
0x15f: {  	v0 =	vld [tilespmem:s17+$0xFFFFFFC0]  }
0x160: {  	v1 =	vld [tilespmem:s17+$0x10]  }
0x161: {  	v3 =	vld [tilespmem:s17+$0xFFFFFFE0]  }
0x162: {  	v2 =	vld [tilespmem:s17+$0x0];
	_ =	sdelay $0x1  }
0x163: {  	v6 =	vld [tilespmem:s17+$0x20]  }
0x164: {  	v7 =	vld [tilespmem:s17+$0xFFFFFFF0];
	v4 =	vshll.u32 v0, $0x2;
	v0 =	vand.u32 $0x7F, v0;
	v5 =	vshll.u32 v1, $0x2  }
0x165: {  	v1 =	vand.u32 $0x7F, v1;
	v9 =	vshll.u32 v3, $0x2;
	v4 =	vand.u32 $0xFFFFFE00, v4  }
0x166: {  	v8 =	vld [tilespmem:s17+$0xFFFFFFD0];
	v3 =	vand.u32 $0x7F, v3;
	v4 =	vor.u32 v0, v4;
	v0 =	vshll.u32 v2, $0x2  }
0x167: {  	v5 =	vand.u32 $0xFFFFFE00, v5;
	v2 =	vand.u32 $0x7F, v2;
	v0 =	vand.u32 $0xFFFFFE00, v0  }
0x168: {  	v5 =	vor.u32 v1, v5;
	v0 =	vor.u32 v2, v0;
	v2 =	vand.u32 $0xFFFFFE00, v9;
	v9 =	vld [tilespmem:s17+$0x30]  }
0x169: {  	v11 =	vand.u32 $0x7F, v7;
	v2 =	vor.u32 v3, v2;
	v3 =	vshll.u32 v6, $0x2  }
0x16a: {  	v1 =	vand.u32 $0x7F, v6;
	v12 =	vor.u32 $0x80, v4;
	v3 =	vand.u32 $0xFFFFFE00, v3  }
0x16b: {  	v6 =	vshll.u32 v7, $0x2;
	v10 =	vld.idx.msk [tilespmem:v4+s23+$0x0], $0xffff;
	v1 =	vor.u32 v1, v3;
	v3 =	vshll.u32 v8, $0x2  }
0x16c: {  	v6 =	vand.u32 $0xFFFFFE00, v6;
	v8 =	vand.u32 $0x7F, v8;
	v3 =	vand.u32 $0xFFFFFE00, v3  }
0x16d: {  	v6 =	vor.u32 v11, v6;
	v17 =	vld.idx.msk [tilespmem:v5+s23+$0x0], $0xffff;
	v7 =	vor.u32 v8, v3;
	v3 =	vshll.u32 v9, $0x2  }
0x16e: {  	v13 =	vld.idx.msk [tilespmem:v0+s23+$0x0], $0xffff;
	v8 =	vand.u32 $0x7F, v9;
	v3 =	vand.u32 $0xFFFFFE00, v3  }
0x16f: {  	s8 =	simm.s32 $0x15100;
	v11 =	vld.idx.msk [tilespmem:v2+s23+$0x0], $0xffff;
	v3 =	vor.u32 v8, v3  }
0x170: {  	v20 =	vor.u32 $0x80, v0;
	[tilespmem:s8+$0xFFFFFF00] =	vst v10;
	v10 =	vld.idx.msk [tilespmem:v1+s23+$0x0], $0xffff  }
0x171: {  	v18 =	vld.idx.msk [tilespmem:v12+s23+$0x0], $0xffff;
	v12 =	vor.u32 $0x80, v5  }
0x172: {  	v15 =	vor.u32 $0x80, v2;
	v16 =	vld.idx.msk [tilespmem:v6+s23+$0x0], $0xffff  }
0x173: {  	s7 =	simm.s32 $0x0;
	s9 =	simm.s32 $0xC0;
	s1 =	simm.s32 $0x15100;
	v9 =	vor.u32 $0x80, v1;
	v14 =	vor.u32 $0x80, v7;
	v8 =	vor.u32 $0x80, v3;
	v19 =	vld.idx.msk [tilespmem:v7+s23+$0x0], $0xffff  }
.LBB2_13:
0x174: {  	s7 =	sadd.s32 $0x8, s7;
	[tilespmem:s8+$0xFFFFFF40] =	vst v13;
	v13 =	vld.idx.msk [tilespmem:v3+s23+$0x0], $0xffff;
	s1 =	sadd.s32 $0x200, s1  }
0x175: {  	p0 =	slt.u32 s7, $0xF8;
	v20 =	vld.idx.msk [tilespmem:v20+s23+$0x0], $0xffff;
	[tilespmem:s8+$0xFFFFFF50] =	vst v17  }
0x176: {  	v17 =	vor.u32 $0x100, v4;
	v12 =	vld.idx.msk [tilespmem:v12+s23+$0x0], $0xffff  }
0x177: {  	v21 =	vld [tilespmem:s9+$0x10];
	[tilespmem:s8+$0xFFFFFF80] =	vst v18  }
0x178: {  	v18 =	vld [tilespmem:s9+$0xFFFFFFE0];
	[tilespmem:s8+$0xFFFFFF10] =	vst v19;
	v19 =	vor.u32 $0x80, v6  }
0x179: {  	v14 =	vld.idx.msk [tilespmem:v14+s23+$0x0], $0xffff;
	[tilespmem:s8+$0xFFFFFF20] =	vst v11  }
0x17a: {  	v11 =	vld.idx.msk [tilespmem:v15+s23+$0x0], $0xffff;
	[tilespmem:s8+$0xFFFFFF70] =	vst v13  }
0x17b: {  	v13 =	vld.idx.msk [tilespmem:v17+s23+$0x0], $0xffff;
	[tilespmem:s8+$0xFFFFFFC0] =	vst v20  }
0x17c: {  	v15 =	vld [tilespmem:s9+$0xFFFFFFF0];
	[tilespmem:s8+$0xFFFFFF30] =	vst v16  }
0x17d: {  	v16 =	vld.idx.msk [tilespmem:v19+s23+$0x0], $0xffff;
	[tilespmem:s8+$0xFFFFFFD0] =	vst v12  }
0x17e: {  	v12 =	vld [tilespmem:s9+$0xFFFFFFC0];
	[tilespmem:s8+$0xFFFFFF60] =	vst v10  }
0x17f: {  	[tilespmem:s8+$0xFFFFFF90] =	vst v14;
	v8 =	vld.idx.msk [tilespmem:v8+s23+$0x0], $0xffff  }
0x180: {  	v10 =	vld [tilespmem:s9+$0x20];
	[tilespmem:s8+$0xFFFFFFA0] =	vst v11;
	v11 =	vor.u32 $0x100, v5  }
0x181: {  	v14 =	vld [tilespmem:s9+$0x30];
	[tilespmem:s8+$0x0] =	vst v13;
	v13 =	vor.u32 $0x100, v7  }
0x182: {  	v19 =	vor.u32 $0x100, v6;
	v17 =	vld [tilespmem:s9+$0xFFFFFFD0]  }
0x183: {  	v20 =	vor.u32 $0x180, v4;
	[tilespmem:s8+$0xFFFFFFB0] =	vst v16;
	v9 =	vld.idx.msk [tilespmem:v9+s23+$0x0], $0xffff  }
0x184: {  	v22 =	vor.u32 $0x100, v2;
	v23 =	vor.u32 $0x180, v5;
	v5 =	vor.u32 $0x100, v1;
	v16 =	vld [tilespmem:s9+$0x0]  }
0x185: {  	v24 =	vor.u32 $0x100, v0;
	v4 =	vshll.u32 v12, $0x2;
	v11 =	vld.idx.msk [tilespmem:v11+s23+$0x0], $0xffff;
	[tilespmem:s8+$0xFFFFFFF0] =	vst v8;
	v8 =	vor.u32 $0x100, v3  }
0x186: {  	v4 =	vand.u32 $0xFFFFFE00, v4;
	v25 =	vand.u32 $0x7F, v14;
	v14 =	vshll.u32 v14, $0x2;
	v13 =	vld.idx.msk [tilespmem:v13+s23+$0x0], $0xffff  }
0x187: {  	v6 =	vor.u32 $0x180, v6;
	v12 =	vand.u32 $0x7F, v12;
	v14 =	vand.u32 $0xFFFFFE00, v14;
	v19 =	vld.idx.msk [tilespmem:v19+s23+$0x0], $0xffff  }
0x188: {  	v7 =	vor.u32 $0x180, v7;
	v4 =	vor.u32 v12, v4;
	v12 =	vshll.u32 v21, $0x2;
	v20 =	vld.idx.msk [tilespmem:v20+s23+$0x0], $0xffff  }
0x189: {  	v26 =	vshll.u32 v15, $0x2;
	v14 =	vor.u32 v25, v14;
	v27 =	vshll.u32 v16, $0x2;
	v22 =	vld.idx.msk [tilespmem:v22+s23+$0x0], $0xffff;
	[tilespmem:s8+$0xFFFFFFE0] =	vst v9  }
0x18a: {  	v21 =	vand.u32 $0x7F, v21;
	v9 =	vand.u32 $0xFFFFFE00, v26;
	v16 =	vand.u32 $0x7F, v16;
	v25 =	vld.idx.msk [tilespmem:v5+s23+$0x0], $0xffff  }
0x18b: {  	v12 =	vand.u32 $0xFFFFFE00, v12;
	v26 =	vor.u32 $0x180, v2;
	v5 =	vand.u32 $0xFFFFFE00, v27;
	[tilespmem:s8+$0x50] =	vst v11;
	v8 =	vld.idx.msk [tilespmem:v8+s23+$0x0], $0xffff  }
0x18c: {  	v2 =	vshll.u32 v18, $0x2;
	v11 =	vor.u32 v16, v5;
	v5 =	vor.u32 v21, v12;
	[tilespmem:s8+$0x10] =	vst v13;
	v12 =	vld.idx.msk [tilespmem:v24+s23+$0x0], $0xffff  }
0x18d: {  	v2 =	vand.u32 $0xFFFFFE00, v2;
	v13 =	vor.u32 $0x180, v3;
	v3 =	vmov v14;
	v7 =	vld.idx.msk [tilespmem:v7+s23+$0x0], $0xffff;
	[tilespmem:s8+$0x30] =	vst v19  }
0x18e: {  	v14 =	vand.u32 $0x7F, v18;
	v18 =	vor.u32 $0x180, v0;
	v0 =	vmovc v11;
	v19 =	vor.u32 $0x180, v1;
	[tilespmem:s8+$0x80] =	vst v20;
	v16 =	vld.idx.msk [tilespmem:v6+s23+$0x0], $0xffff  }
0x18f: {  	v21 =	vor.u32 $0x80, v4;
	v2 =	vor.u32 v14, v2;
	v1 =	vand.u32 $0x7F, v15;
	[tilespmem:s8+$0x20] =	vst v22;
	v11 =	vld.idx.msk [tilespmem:v23+s23+$0x0], $0xffff  }
0x190: {  	v6 =	vor.u32 v1, v9;
	v1 =	vshll.u32 v10, $0x2;
	v9 =	vld.idx.msk [tilespmem:v26+s23+$0x0], $0xffff;
	[tilespmem:s8+$0x60] =	vst v25  }
0x191: {  	v10 =	vand.u32 $0x7F, v10;
	v1 =	vand.u32 $0xFFFFFE00, v1;
	v15 =	vld.idx.msk [tilespmem:v4+s23+$0x0], $0xffff;
	[tilespmem:s8+$0x70] =	vst v8  }
0x192: {  	v1 =	vor.u32 v10, v1;
	[tilespmem:s8+$0x40] =	vst v12;
	v22 =	vld.idx.msk [tilespmem:v13+s23+$0x0], $0xffff  }
0x193: {  	v8 =	vshll.u32 v17, $0x2;
	v12 =	vor.u32 $0x80, v5;
	v13 =	vld.idx.msk [tilespmem:v0+s23+$0x0], $0xffff;
	[tilespmem:s8+$0x90] =	vst v7  }
0x194: {  	v10 =	vand.u32 $0xFFFFFE00, v8;
	v8 =	vor.u32 $0x80, v3;
	v7 =	vand.u32 $0x7F, v17;
	[tilespmem:s8+$0xB0] =	vst v16;
	v16 =	vld.idx.msk [tilespmem:v18+s23+$0x0], $0xffff  }
0x195: {  	v7 =	vor.u32 v7, v10;
	[tilespmem:s8+$0xD0] =	vst v11;
	v23 =	vld.idx.msk [tilespmem:v19+s23+$0x0], $0xffff  }
0x196: {  	v14 =	vor.u32 $0x80, v7;
	v11 =	vld.idx.msk [tilespmem:v2+s23+$0x0], $0xffff  }
.Ltmp6:
0x197: {  	[tilespmem:s1+$0xFFFFFF00] =	vst v15;
	v15 =	vor.u32 $0x80, v2;
	v17 =	vld.idx.msk [tilespmem:v5+s23+$0x0], $0xffff;
	(pc) =	sbr.rel @p0 .LBB2_13-.Ltmp6, $4  }
0x198: {  	v20 =	vor.u32 $0x80, v0;
	v10 =	vld.idx.msk [tilespmem:v1+s23+$0x0], $0xffff;
	[tilespmem:s8+$0xF0] =	vst v22  }
0x199: {  	v18 =	vld.idx.msk [tilespmem:v21+s23+$0x0], $0xffff;
	[tilespmem:s8+$0xA0] =	vst v9  }
0x19a: {  	v19 =	vld.idx.msk [tilespmem:v7+s23+$0x0], $0xffff;
	[tilespmem:s8+$0xC0] =	vst v16  }
0x19b: {  	s9 =	sadd.s32 $0x80, s9;
	v9 =	vor.u32 $0x80, v1;
	v16 =	vld.idx.msk [tilespmem:v6+s23+$0x0], $0xffff;
	[tilespmem:s8+$0xE0] =	vst v23;
	s8 =	smov.u32 s1  }
0x19c: {  	_ =	sdelay $0x1  }
0x19d: {  	[tilespmem:s8+$0xFFFFFF40] =	vst v13  }
0x19e: {  	[tilespmem:s8+$0xFFFFFF50] =	vst v17  }
0x19f: {  	v34 =	vld.idx.msk [tilespmem:v3+s23+$0x0], $0xffff;
	[tilespmem:s8+$0xFFFFFF20] =	vst v11  }
0x1a0: {  	v36 =	vor.u32 $0x80, v6;
	v35 =	vld.idx.msk [tilespmem:v20+s23+$0x0], $0xffff;
	[tilespmem:s8+$0xFFFFFF60] =	vst v10  }
0x1a1: {  	v37 =	vor.u32 $0x100, v4;
	v12 =	vld.idx.msk [tilespmem:v12+s23+$0x0], $0xffff;
	[tilespmem:s8+$0xFFFFFF80] =	vst v18  }
0x1a2: {  	v39 =	vld.idx.msk [tilespmem:v15+s23+$0x0], $0xffff;
	[tilespmem:s8+$0xFFFFFF10] =	vst v19  }
0x1a3: {  	v40 =	vor.u32 $0x100, v5;
	v9 =	vld.idx.msk [tilespmem:v9+s23+$0x0], $0xffff;
	[tilespmem:s8+$0xFFFFFF30] =	vst v16  }
0x1a4: {  	v46 =	vor.u32 $0x100, v2;
	v38 =	vld.idx.msk [tilespmem:v14+s23+$0x0], $0xffff;
	[tilespmem:s8+$0xFFFFFF70] =	vst v34  }
0x1a5: {  	v51 =	vor.u32 $0x100, v0;
	v41 =	vld.idx.msk [tilespmem:v36+s23+$0x0], $0xffff;
	[tilespmem:s8+$0xFFFFFFC0] =	vst v35  }
0x1a6: {  	v49 =	vor.u32 $0x100, v1;
	v43 =	vld.idx.msk [tilespmem:v37+s23+$0x0], $0xffff;
	[tilespmem:s8+$0xFFFFFFD0] =	vst v12  }
0x1a7: {  	v42 =	vor.u32 $0x100, v7;
	v8 =	vld.idx.msk [tilespmem:v8+s23+$0x0], $0xffff;
	[tilespmem:s8+$0xFFFFFFA0] =	vst v39  }
0x1a8: {  	v44 =	vor.u32 $0x100, v6;
	v47 =	vld.idx.msk [tilespmem:v40+s23+$0x0], $0xffff;
	[tilespmem:s8+$0xFFFFFFE0] =	vst v9  }
0x1a9: {  	v45 =	vor.u32 $0x180, v4;
	v54 =	vld.idx.msk [tilespmem:v46+s23+$0x0], $0xffff;
	[tilespmem:s8+$0xFFFFFF90] =	vst v38  }
0x1aa: {  	v48 =	vor.u32 $0x100, v3;
	v60 =	vld.idx.msk [tilespmem:v51+s23+$0x0], $0xffff;
	[tilespmem:s8+$0xFFFFFFB0] =	vst v41  }
0x1ab: {  	v55 =	vor.u32 $0x180, v5;
	v57 =	vld.idx.msk [tilespmem:v49+s23+$0x0], $0xffff;
	[tilespmem:s8+$0x0] =	vst v43  }
0x1ac: {  	v59 =	vor.u32 $0x180, v2;
	v50 =	vld.idx.msk [tilespmem:v42+s23+$0x0], $0xffff;
	[tilespmem:s8+$0xFFFFFFF0] =	vst v8  }
0x1ad: {  	v61 =	vor.u32 $0x180, v0;
	v12 =	vld.idx.msk [tilespmem:v44+s23+$0x0], $0xffff;
	[tilespmem:s8+$0x50] =	vst v47  }
0x1ae: {  	v63 =	vor.u32 $0x180, v1;
	v4 =	vld.idx.msk [tilespmem:v45+s23+$0x0], $0xffff;
	[tilespmem:s8+$0x20] =	vst v54  }
0x1af: {  	v52 =	vor.u32 $0x180, v7;
	v56 =	vld.idx.msk [tilespmem:v48+s23+$0x0], $0xffff;
	[tilespmem:s8+$0x40] =	vst v60  }
0x1b0: {  	v53 =	vor.u32 $0x180, v6;
	v5 =	vld.idx.msk [tilespmem:v55+s23+$0x0], $0xffff;
	[tilespmem:s8+$0x60] =	vst v57  }
0x1b1: {  	v58 =	vor.u32 $0x180, v3;
	v2 =	vld.idx.msk [tilespmem:v59+s23+$0x0], $0xffff;
	[tilespmem:s8+$0x10] =	vst v50  }
0x1b2: {  	v0 =	vld.idx.msk [tilespmem:v61+s23+$0x0], $0xffff;
	[tilespmem:s8+$0x30] =	vst v12  }
0x1b3: {  	v1 =	vld.idx.msk [tilespmem:v63+s23+$0x0], $0xffff;
	[tilespmem:s8+$0x80] =	vst v4  }
0x1b4: {  	v7 =	vld.idx.msk [tilespmem:v52+s23+$0x0], $0xffff;
	[tilespmem:s8+$0x70] =	vst v56  }
0x1b5: {  	v62 =	vld.idx.msk [tilespmem:v53+s23+$0x0], $0xffff;
	[tilespmem:s8+$0xD0] =	vst v5  }
0x1b6: {  	s3 =	sadd.s32 $0x1, s3;
	v3 =	vld.idx.msk [tilespmem:v58+s23+$0x0], $0xffff;
	[tilespmem:s8+$0xA0] =	vst v2  }
0x1b7: {  	p0 =	sne.s32 s3, $0x20;
	[tilespmem:s8+$0xC0] =	vst v0  }
.Ltmp7:
0x1b8: {  	[tilespmem:s8+$0xE0] =	vst v1;
	(pc) =	sbr.rel @p0 .LBB2_2-.Ltmp7, $4  }
0x1b9: {  	[tilespmem:s8+$0x90] =	vst v7  }
0x1ba: {  	[tilespmem:s8+$0xB0] =	vst v62  }
0x1bb: {  	s1 =	sadd.s32 s4, s5;
	[tilespmem:s8+$0xF0] =	vst v3  }
0x1bc: {  	[hbm4b:s1+s18] =	stream.strided.scatter [tilespmem:s29], [sflag:$0x6], $0x4000, s19, s18, $0x38;
	[tilespmem:$0x19000] =	vst v63  }
0x1bd: {  	_ =	swait.ge [sflag:s31], $0x4000  }
0x1be: {  	[sflag:s31] =	ssyncset.done $0x0  }
0x1bf: {  	[sflag:s31] =	ssyncadd.s32 $0xFFFFC000  }
0x1c0: {  	_ =	swait.ge [sflag:s28], $0x4000  }
0x1c1: {  	s3 =	rddreg [dreg:$0x8]  }
0x1c2: {  	s1 =	rddreg [dreg:$0x7];
	s3 =	sadd.s32 $0x1, s3  }
0x1c3: {  	p0 =	sne.s32 s3, s1  }
.Ltmp8:
0x1c4: {  	_ = 	snop;
	(pc) =	sbr.rel @p0 .LBB2_1-.Ltmp8, $3  }
0x1c5: {  	_ =	sdelay $0x1  }
0x1c6: {  	[sflag:s28] =	ssyncset.done $0x0  }
0x1c7: {  	[sflag:s28] =	ssyncadd.s32 $0xFFFFC000  }
0x1c8: {  	_ =	sfence.sel $0x180000  }
0x1c9: {  	[bflag:$0x0] =	sbarrier.arrive $0xFFFF  }
0x1ca: {  	_ =	strace $0x90000047  }
0x1cb: {  	s0 =	stileid.u32;
	[bflag:$0x2] =	sbarrier.arrive $0xFFFF  }
0x1cc: {  	p0 =	sne.s32 s0, $0x0;
	s0 =	rddreg [dreg:$0x3]  }
0x1cd: {  	s0 =	sadd.s32 @!p0 $0x100000, s0  }
0x1ce: {  	[sflag:s0] =	ssyncadd.tile.s32 @!p0 $0x1;
	_ =	shalt  }
.Lfunc_end2:
_tile_overlayer_lowered:
.L_overlay_start_2:
0x1cf: {  	(tag) =	ssettag $0x2  }
0x1d0: {  	s0 =	rddreg [dreg:$0x0];
	s2 =	stileid.u32  }
0x1d1: {  	s1 =	rddreg [dreg:$0x1];
	p0 =	sne.s32 s2, $0x0  }
0x1d2: {  	s3 =	rddreg [dreg:$0x2];
	[bflag:$0x3] =	sbarrier.arrive $0xFFFF;
	s2 =	simm.s32 @!p0 $0x1C07  }
0x1d3: {  	[timem:s3], [sflag:s2] =	dma.local @!p0 [hbm:s0], s1  }
0x1d4: {  	s0 =	simm.s32 @!p0 $0x7  }
0x1d5: {  	_ =	swait.ge @!p0 [sflag:s0], s1  }
0x1d6: {  	s1 =	ssub.s32 @!p0 $0x0, s1;
	[sflag:s0] =	ssyncset.done @!p0 $0x0  }
0x1d7: {  	[sflag:s0] =	ssyncadd.s32 @!p0 s1  }
0x1d8: {  	[bflag:$0x3] =	sbarrier.arrive $0xFFFF  }
0x1d9: {  	_ =	shalt  }

</sc_bundles>
